<compile_context>
chip_gen: v7x
topology: tpu7x:2x2x1
jax: 0.10.2.dev20260603
libtpu: 0.0.44.dev20260713+nightly
codegen_flags: <defaults>
</compile_context>

<pallas_src>
import functools

import jax
import jax.numpy as jnp
from jax import lax
from jax.experimental import pallas as pl
from jax.experimental.pallas import tpu as pltpu
from jax.experimental.pallas import tpu_sc as plsc

B, LP1, T, D, P, TOPK = 8, 25, 250, 1024, 128, 3
L = LP1 - 1
LBLK = 25
NQ = 16
QROW = T * D // NQ
NUNITS = B * TOPK * NQ
UPW = 16
NACT = NUNITS // UPW


def _sc_gather_body(gidx_hbm, wave_hbm, sel_hbm, idx_v, buf, sem):
    wid = lax.axis_index("s") * 2 + lax.axis_index("c")

    @pl.when(wid < NACT)
    def _():
        pltpu.sync_copy(gidx_hbm, idx_v)
        for h in range(2):
            base = wid * UPW + h * 8
            pltpu.async_copy(wave_hbm.at[idx_v.at[pl.ds(base, 8)]], buf,
                             sem).wait()
            pltpu.sync_copy(buf, sel_hbm.at[pl.ds(base, 8)])


def _scores_body(wa_ref, wb_ref, ws_ref, outa_ref, outb_ref):
    DH = D // 2
    outa_ref[...] = (jnp.sum(wa_ref[0], axis=1) * ws_ref[0, :DH][None, :])[None]
    outb_ref[...] = (jnp.sum(wb_ref[0], axis=1) * ws_ref[0, DH:][None, :])[None]


def _topk_body(ca_ref, cb_ref, bs_ref, scores_ref, vals_ref, idx_ref,
               gidx_ref):
    ssum = jnp.sum(ca_ref[...], axis=2) + jnp.sum(cb_ref[...], axis=2)
    s = ssum[:, 1:] / T + bs_ref[0, 0]
    scores_ref[...] = s
    m = jnp.max(s, axis=1, keepdims=True)
    e = jnp.exp(s - m)
    probs = e / jnp.sum(e, axis=1, keepdims=True)
    iota = jax.lax.broadcasted_iota(jnp.int32, (B, L), 1)
    work = probs
    cols = []
    for k in range(TOPK):
        mx = jnp.max(work, axis=1, keepdims=True)
        hit = work == mx
        idx = jnp.min(jnp.where(hit, iota, L), axis=1, keepdims=True)
        vals_ref[:, k] = mx[:, 0]
        idx_ref[:, k] = idx[:, 0]
        cols.extend([idx] * NQ)
        work = jnp.where(iota == idx, -jnp.inf, work)
    rep = jnp.concatenate(cols, axis=1)
    biota = jax.lax.broadcasted_iota(jnp.int32, (B, TOPK * NQ), 0)
    qiota = jax.lax.broadcasted_iota(jnp.int32, (B, TOPK * NQ), 1) % NQ
    gidx_ref[...] = (biota * LP1 + rep + 1) * NQ + qiota


def _combine_body(idx_ref, vals_ref, w0_ref, w1_ref, w2_ref, g_ref, bta_ref,
                  wp_ref, bp_ref, proj_ref):
    b = pl.program_id(0)
    acc = (w0_ref[0, 0] * vals_ref[b, 0] + w1_ref[0, 0] * vals_ref[b, 1]
           + w2_ref[0, 0] * vals_ref[b, 2])
    v = jnp.max(acc, axis=0)
    mu = jnp.mean(v)
    var = jnp.mean((v - mu) ** 2)
    vn = (v - mu) * jax.lax.rsqrt(var + 1e-5) * g_ref[0] + bta_ref[0]
    out = jax.lax.dot_general(
        vn[None, :], wp_ref[...], (((1,), (0,)), ((), ())),
        preferred_element_type=jnp.float32)
    proj_ref[0] = out + bp_ref[0][None, :]


@jax.jit
def kernel(wave, W_score, b_score, ln_gamma, ln_beta, W_proj, b_proj):
    ws_row = W_score.reshape(1, D)

    NJ = LP1 // LBLK
    DH = D // 2
    rawa, rawb = pl.pallas_call(
        _scores_body,
        grid=(B, NJ),
        compiler_params=pltpu.CompilerParams(vmem_limit_bytes=120 * 1024 * 1024),
        in_specs=[
            pl.BlockSpec((1, LBLK, T, DH), lambda b, j: (b, j, 0, 0)),
            pl.BlockSpec((1, LBLK, T, DH), lambda b, j: (b, j, 0, 1)),
            pl.BlockSpec((1, D), lambda b, j: (0, 0)),
        ],
        out_specs=[
            pl.BlockSpec((1, LBLK, DH), lambda b, j: (b * NJ + j, 0, 0)),
            pl.BlockSpec((1, LBLK, DH), lambda b, j: (b * NJ + j, 0, 0)),
        ],
        out_shape=[
            jax.ShapeDtypeStruct((B * NJ, LBLK, DH), jnp.float32),
            jax.ShapeDtypeStruct((B * NJ, LBLK, DH), jnp.float32),
        ],
    )(wave, wave, ws_row)
    rawa = rawa.reshape(B, LP1, DH)
    rawb = rawb.reshape(B, LP1, DH)

    scores, topk_vals, topk_idx, gidx = pl.pallas_call(
        _topk_body,
        in_specs=[
            pl.BlockSpec((B, LP1, D // 2), lambda: (0, 0, 0)),
            pl.BlockSpec((B, LP1, D // 2), lambda: (0, 0, 0)),
            pl.BlockSpec(memory_space=pltpu.SMEM),
        ],
        out_specs=[
            pl.BlockSpec((B, L), lambda: (0, 0)),
            pl.BlockSpec((B, TOPK), lambda: (0, 0)),
            pl.BlockSpec((B, TOPK), lambda: (0, 0)),
            pl.BlockSpec((B, TOPK * NQ), lambda: (0, 0)),
        ],
        out_shape=[
            jax.ShapeDtypeStruct((B, L), jnp.float32),
            jax.ShapeDtypeStruct((B, TOPK), jnp.float32),
            jax.ShapeDtypeStruct((B, TOPK), jnp.int32),
            jax.ShapeDtypeStruct((B, TOPK * NQ), jnp.int32),
        ],
    )(rawa, rawb, b_score.reshape(1, 1))

    sc_gather = functools.partial(
        pl.kernel,
        mesh=plsc.VectorSubcoreMesh(core_axis_name="c", subcore_axis_name="s"),
        out_type=jax.ShapeDtypeStruct((NUNITS, QROW), jnp.float32),
        scratch_types=[
            pltpu.VMEM((NUNITS,), jnp.int32),
            pltpu.VMEM((8, QROW), jnp.float32),
            pltpu.SemaphoreType.DMA,
        ],
    )(_sc_gather_body)
    wave_rows = wave.reshape(B * LP1 * NQ, QROW)
    selected = sc_gather(gidx.reshape(NUNITS), wave_rows)
    selected = selected.reshape(B, TOPK, T, D)

    grid_spec = pltpu.PrefetchScalarGridSpec(
        num_scalar_prefetch=2,
        grid=(B,),
        in_specs=[
            pl.BlockSpec((1, 1, T, D),
                         lambda b, idx, vals: (b, idx[b, 0] + 1, 0, 0)),
            pl.BlockSpec((1, 1, T, D),
                         lambda b, idx, vals: (b, idx[b, 1] + 1, 0, 0)),
            pl.BlockSpec((1, 1, T, D),
                         lambda b, idx, vals: (b, idx[b, 2] + 1, 0, 0)),
            pl.BlockSpec((1, D), lambda b, idx, vals: (0, 0)),
            pl.BlockSpec((1, D), lambda b, idx, vals: (0, 0)),
            pl.BlockSpec((D, P), lambda b, idx, vals: (0, 0)),
            pl.BlockSpec((1, P), lambda b, idx, vals: (0, 0)),
        ],
        out_specs=pl.BlockSpec((1, 1, P), lambda b, idx, vals: (b, 0, 0)),
    )
    projected = pl.pallas_call(
        _combine_body,
        grid_spec=grid_spec,
        out_shape=jax.ShapeDtypeStruct((B, 1, P), jnp.float32),
    )(topk_idx, topk_vals, wave, wave, wave, ln_gamma.reshape(1, D),
      ln_beta.reshape(1, D), W_proj, b_proj.reshape(1, P))

    return projected.reshape(B, P), scores, topk_idx, selected

# --- scband reference (transcript-rebuilt; emitter-appended) ---
"""Pipeline reference for scband-layer-selector-mo-e-33543694581813 (READ-ONLY COPY).

The authoritative reference and input builder live on the scoring server;
editing this copy changes nothing except your own understanding.
"""

import jax, jax.numpy as jnp
import numpy as np

B, LP1, T, D, P, TOPK = 8, 25, 250, 1024, 128, 3

def setup_inputs(seed: int = 0) -> dict:
    key = jax.random.key(seed)
    ks = jax.random.split(key, 4)
    wave = jax.random.normal(ks[0], (B, LP1, T, D), dtype=jnp.float32)
    W_score = jax.random.normal(ks[1], (D, 1), dtype=jnp.float32) / np.sqrt(D)
    b_score = jnp.zeros((1,), dtype=jnp.float32)
    ln_gamma = jnp.ones((D,), dtype=jnp.float32)
    ln_beta = jnp.zeros((D,), dtype=jnp.float32)
    W_proj = jax.random.normal(ks[2], (D, P), dtype=jnp.float32) / np.sqrt(D)
    b_proj = jnp.zeros((P,), dtype=jnp.float32)
    return {"wave": wave, "W_score": W_score, "b_score": b_score,
            "ln_gamma": ln_gamma, "ln_beta": ln_beta,
            "W_proj": W_proj, "b_proj": b_proj}

def _layernorm(x, g, b, eps=1e-5):
    mu = jnp.mean(x, axis=-1, keepdims=True)
    var = jnp.mean((x - mu) ** 2, axis=-1, keepdims=True)
    return (x - mu) / jnp.sqrt(var + eps) * g + b

def reference(wave, W_score, b_score, ln_gamma, ln_beta, W_proj, b_proj):
    # layer_outputs = wav2vec_ft[:, 1:]  -> [B, L, T, D]
    layer_outputs = wave[:, 1:]
    # pooled = mean over time -> [B, L, D]
    pooled = jnp.mean(layer_outputs, axis=2)
    # scores = Linear(D -> 1).squeeze(-1) -> [B, L]
    scores = (pooled @ W_score + b_score)[..., 0]
    probs = jax.nn.softmax(scores, axis=1)
    topk_vals, topk_idx = jax.lax.top_k(probs, TOPK)
    # gather selected layers: [B, topk, T, D]
    idx = topk_idx[:, :, None, None]
    selected_layers = jnp.take_along_axis(layer_outputs, idx, axis=1)
    weights = topk_vals[:, :, None, None]
    weighted = jnp.sum(selected_layers * weights, axis=1)  # [B, T, D]
    pooled_weighted = jnp.max(weighted, axis=1)  # [B, D]
    projected = _layernorm(pooled_weighted, ln_gamma, ln_beta) @ W_proj + b_proj
    return (projected, scores, topk_idx, jax.lax.stop_gradient(selected_layers))

if __name__ == "__main__":
    import jax
    _d = setup_inputs()
    print(jax.jit(kernel)(*tuple(_d.values())))

</pallas_src>

<mosaic_0001>
#map = affine_map<(d0, d1) -> (0)>
#map1 = affine_map<(d0, d1) -> (0, 0)>
module attributes {stable_mosaic.version = 14 : i64} {
  func.func @_sc_gather_body(%arg0: i32, %arg1: i32, %arg2: memref<384xi32, #tpu.memory_space<hbm>>, %arg3: memref<3200x16000xf32, #tpu.memory_space<hbm>>, %arg4: memref<384x16000xf32, #tpu.memory_space<hbm>>, %arg5: memref<384xi32, #tpu.memory_space<vmem>>, %arg6: memref<8x16000xf32, #tpu.memory_space<vmem>>, %arg7: memref<!tpu.dma_semaphore, #tpu.memory_space<semaphore_mem>>) attributes {dimension_semantics = [#tpu.dimension_semantics<core_parallel>, #tpu.dimension_semantics<subcore_parallel>], iteration_bounds = array<i64: 2, 16>, scalar_prefetch = 0 : i64, scratch_operands = 3 : i64, tpu.core_type = #tpu.core_type<sc_vector_subcore>, window_params = [{transform_indices = #map}, {transform_indices = #map1}, {transform_indices = #map1}]} {
    %mul3A = arith.constant 2 : i32
    %mul3A_0 = arith.muli %arg1, %mul3A : i32
    %add3A = arith.addi %mul3A_0, %arg0 : i32
    %lt3A = arith.constant 24 : i32
    %lt3A_1 = arith.cmpi slt, %add3A, %lt3A : i32
    %convert_element_type3A = arith.extui %lt3A_1 : i1 to i32
    %cond3A = arith.constant 0 : i32
    %cond3A_2 = arith.cmpi ne, %convert_element_type3A, %cond3A : i32
    scf.if %cond3A_2 {
      "tpu.region"() ({
        %run_scoped3A = tpu.sem_alloc : memref<!tpu.dma_semaphore, #tpu.memory_space<semaphore_mem>>
        tpu.enqueue_dma source(%arg2 : memref<384xi32, #tpu.memory_space<hbm>>) target(%arg5 : memref<384xi32, #tpu.memory_space<vmem>>) target_semaphore(%run_scoped3A : memref<!tpu.dma_semaphore, #tpu.memory_space<semaphore_mem>>)
        tpu.wait_dma2 semaphore(%run_scoped3A : memref<!tpu.dma_semaphore, #tpu.memory_space<semaphore_mem>>) src(%arg2 : memref<384xi32, #tpu.memory_space<hbm>>) dst(%arg5 : memref<384xi32, #tpu.memory_space<vmem>>)
        tpu.yield
      }) : () -> ()
      %mul3A_3 = arith.constant 16 : i32
      %mul3A_4 = arith.muli %add3A, %mul3A_3 : i32
      %add3A_5 = arith.constant 0 : i32
      %add3A_6 = arith.addi %mul3A_4, %add3A_5 : i32
      %dma_start3A = tpu.memref_slice %arg5[%add3A_6] : memref<384xi32, #tpu.memory_space<vmem>> -> memref<8xi32, #tpu.memory_space<vmem>>
      %dma_start3A_7 = arith.constant 0 : i32
      %dma_start3A_8 = arith.constant 0 : i32
      %dma_start3A_9 = tpu.memref_slice %arg3[%dma_start3A_7, %dma_start3A_8] : memref<3200x16000xf32, #tpu.memory_space<hbm>> -> memref<3200x16000xf32, #tpu.memory_space<hbm>>
      tpu.enqueue_indirect_dma source(%dma_start3A_9 : memref<3200x16000xf32, #tpu.memory_space<hbm>>) target(%arg6 : memref<8x16000xf32, #tpu.memory_space<vmem>>) offsets(%dma_start3A : memref<8xi32, #tpu.memory_space<vmem>>) semaphore(%arg7 : memref<!tpu.dma_semaphore, #tpu.memory_space<semaphore_mem>>)
      %dma_wait3A = tpu.memref_slice %arg5[%add3A_6] : memref<384xi32, #tpu.memory_space<vmem>> -> memref<8xi32, #tpu.memory_space<vmem>>
      %dma_wait3A_10 = arith.constant 0 : i32
      %dma_wait3A_11 = arith.constant 0 : i32
      %dma_wait3A_12 = tpu.memref_slice %arg3[%dma_wait3A_10, %dma_wait3A_11] : memref<3200x16000xf32, #tpu.memory_space<hbm>> -> memref<3200x16000xf32, #tpu.memory_space<hbm>>
      tpu.wait_indirect_dma semaphore(%arg7 : memref<!tpu.dma_semaphore, #tpu.memory_space<semaphore_mem>>) src(%dma_wait3A_12 : memref<3200x16000xf32, #tpu.memory_space<hbm>>) dst(%arg6 : memref<8x16000xf32, #tpu.memory_space<vmem>>)
      "tpu.region"() ({
        %run_scoped3A = tpu.sem_alloc : memref<!tpu.dma_semaphore, #tpu.memory_space<semaphore_mem>>
        %dma_start3A_25 = arith.constant 0 : i32
        %dma_start3A_26 = tpu.memref_slice %arg4[%add3A_6, %dma_start3A_25] : memref<384x16000xf32, #tpu.memory_space<hbm>> -> memref<8x16000xf32, #tpu.memory_space<hbm>>
        %dma_start3A_27 = arith.constant 0 : i32
        %dma_start3A_28 = tpu.memref_slice %arg4[%add3A_6, %dma_start3A_27] : memref<384x16000xf32, #tpu.memory_space<hbm>> -> memref<8x16000xf32, #tpu.memory_space<hbm>>
        tpu.enqueue_dma source(%arg6 : memref<8x16000xf32, #tpu.memory_space<vmem>>) target(%dma_start3A_28 : memref<8x16000xf32, #tpu.memory_space<hbm>>) target_semaphore(%run_scoped3A : memref<!tpu.dma_semaphore, #tpu.memory_space<semaphore_mem>>)
        %dma_wait3A_29 = arith.constant 0 : i32
        %dma_wait3A_30 = tpu.memref_slice %arg4[%add3A_6, %dma_wait3A_29] : memref<384x16000xf32, #tpu.memory_space<hbm>> -> memref<8x16000xf32, #tpu.memory_space<hbm>>
        %dma_wait3A_31 = arith.constant 0 : i32
        %dma_wait3A_32 = tpu.memref_slice %arg4[%add3A_6, %dma_wait3A_31] : memref<384x16000xf32, #tpu.memory_space<hbm>> -> memref<8x16000xf32, #tpu.memory_space<hbm>>
        tpu.wait_dma2 semaphore(%run_scoped3A : memref<!tpu.dma_semaphore, #tpu.memory_space<semaphore_mem>>) src(%arg6 : memref<8x16000xf32, #tpu.memory_space<vmem>>) dst(%dma_wait3A_32 : memref<8x16000xf32, #tpu.memory_space<hbm>>)
        tpu.yield
      }) : () -> ()
      %mul3A_13 = arith.constant 16 : i32
      %mul3A_14 = arith.muli %add3A, %mul3A_13 : i32
      %add3A_15 = arith.constant 8 : i32
      %add3A_16 = arith.addi %mul3A_14, %add3A_15 : i32
      %dma_start3A_17 = tpu.memref_slice %arg5[%add3A_16] : memref<384xi32, #tpu.memory_space<vmem>> -> memref<8xi32, #tpu.memory_space<vmem>>
      %dma_start3A_18 = arith.constant 0 : i32
      %dma_start3A_19 = arith.constant 0 : i32
      %dma_start3A_20 = tpu.memref_slice %arg3[%dma_start3A_18, %dma_start3A_19] : memref<3200x16000xf32, #tpu.memory_space<hbm>> -> memref<3200x16000xf32, #tpu.memory_space<hbm>>
      tpu.enqueue_indirect_dma source(%dma_start3A_20 : memref<3200x16000xf32, #tpu.memory_space<hbm>>) target(%arg6 : memref<8x16000xf32, #tpu.memory_space<vmem>>) offsets(%dma_start3A_17 : memref<8xi32, #tpu.memory_space<vmem>>) semaphore(%arg7 : memref<!tpu.dma_semaphore, #tpu.memory_space<semaphore_mem>>)
      %dma_wait3A_21 = tpu.memref_slice %arg5[%add3A_16] : memref<384xi32, #tpu.memory_space<vmem>> -> memref<8xi32, #tpu.memory_space<vmem>>
      %dma_wait3A_22 = arith.constant 0 : i32
      %dma_wait3A_23 = arith.constant 0 : i32
      %dma_wait3A_24 = tpu.memref_slice %arg3[%dma_wait3A_22, %dma_wait3A_23] : memref<3200x16000xf32, #tpu.memory_space<hbm>> -> memref<3200x16000xf32, #tpu.memory_space<hbm>>
      tpu.wait_indirect_dma semaphore(%arg7 : memref<!tpu.dma_semaphore, #tpu.memory_space<semaphore_mem>>) src(%dma_wait3A_24 : memref<3200x16000xf32, #tpu.memory_space<hbm>>) dst(%arg6 : memref<8x16000xf32, #tpu.memory_space<vmem>>)
      "tpu.region"() ({
        %run_scoped3A = tpu.sem_alloc : memref<!tpu.dma_semaphore, #tpu.memory_space<semaphore_mem>>
        %dma_start3A_25 = arith.constant 0 : i32
        %dma_start3A_26 = tpu.memref_slice %arg4[%add3A_16, %dma_start3A_25] : memref<384x16000xf32, #tpu.memory_space<hbm>> -> memref<8x16000xf32, #tpu.memory_space<hbm>>
        %dma_start3A_27 = arith.constant 0 : i32
        %dma_start3A_28 = tpu.memref_slice %arg4[%add3A_16, %dma_start3A_27] : memref<384x16000xf32, #tpu.memory_space<hbm>> -> memref<8x16000xf32, #tpu.memory_space<hbm>>
        tpu.enqueue_dma source(%arg6 : memref<8x16000xf32, #tpu.memory_space<vmem>>) target(%dma_start3A_28 : memref<8x16000xf32, #tpu.memory_space<hbm>>) target_semaphore(%run_scoped3A : memref<!tpu.dma_semaphore, #tpu.memory_space<semaphore_mem>>)
        %dma_wait3A_29 = arith.constant 0 : i32
        %dma_wait3A_30 = tpu.memref_slice %arg4[%add3A_16, %dma_wait3A_29] : memref<384x16000xf32, #tpu.memory_space<hbm>> -> memref<8x16000xf32, #tpu.memory_space<hbm>>
        %dma_wait3A_31 = arith.constant 0 : i32
        %dma_wait3A_32 = tpu.memref_slice %arg4[%add3A_16, %dma_wait3A_31] : memref<384x16000xf32, #tpu.memory_space<hbm>> -> memref<8x16000xf32, #tpu.memory_space<hbm>>
        tpu.wait_dma2 semaphore(%run_scoped3A : memref<!tpu.dma_semaphore, #tpu.memory_space<semaphore_mem>>) src(%arg6 : memref<8x16000xf32, #tpu.memory_space<vmem>>) dst(%dma_wait3A_32 : memref<8x16000xf32, #tpu.memory_space<hbm>>)
        tpu.yield
      }) : () -> ()
    } else {
    }
    return
  }
}

module attributes {stable_mosaic.version = 14 : i64} {
  func.func @_scores_body(%arg0: i32, %arg1: i32, %arg2: memref<1x25x250x512xf32, #tpu.memory_space<vmem>>, %arg3: memref<1x25x250x512xf32, #tpu.memory_space<vmem>>, %arg4: memref<1x1024xf32, #tpu.memory_space<vmem>>, %arg5: memref<1x25x512xf32, #tpu.memory_space<vmem>>, %arg6: memref<1x25x512xf32, #tpu.memory_space<vmem>>) attributes {dimension_semantics = [#tpu.dimension_semantics<arbitrary>, #tpu.dimension_semantics<arbitrary>], iteration_bounds = array<i64: 8, 1>, scalar_prefetch = 0 : i64, scratch_operands = 0 : i64, tpu.core_type = #tpu.core_type<tc>, window_params = [{transform_indices = @transform_0, window_bounds = array<i64: 1, 25, 250, 512>}, {transform_indices = @transform_1, window_bounds = array<i64: 1, 25, 250, 512>}, {pipeline_mode = #tpu.pipeline_mode<synchronous>, transform_indices = @transform_2, window_bounds = array<i64: 1, 1024>}, {transform_indices = @transform_3, window_bounds = array<i64: 1, 25, 512>}, {transform_indices = @transform_4, window_bounds = array<i64: 1, 25, 512>}]} {
    %get3A = arith.constant 0 : index
    %get3A_0 = arith.constant 0 : index
    %get3A_1 = arith.constant 0 : index
    %get3A_2 = arith.constant 0 : index
    %get3A_3 = vector.load %arg2[%get3A, %get3A_0, %get3A_1, %get3A_2] : memref<1x25x250x512xf32, #tpu.memory_space<vmem>>, vector<1x25x250x512xf32>
    %get3A_4 = vector.shape_cast %get3A_3 : vector<1x25x250x512xf32> to vector<25x250x512xf32>
    %reduce_sum3A = arith.constant dense<0.000000e+00> : vector<25x512xf32>
    %reduce_sum3A_5 = vector.multi_reduction <add>, %get3A_4, %reduce_sum3A [1] : vector<25x250x512xf32> to vector<25x512xf32>
    %get3A_6 = arith.constant 0 : index
    %get3A_7 = arith.constant 0 : index
    %get3A_8 = vector.load %arg4[%get3A_6, %get3A_7] : memref<1x1024xf32, #tpu.memory_space<vmem>>, vector<1x512xf32>
    %get3A_9 = vector.shape_cast %get3A_8 : vector<1x512xf32> to vector<512xf32>
    %broadcast_in_dim3A = vector.shape_cast %get3A_9 : vector<512xf32> to vector<1x512xf32>
    %mul3A = vector.broadcast %broadcast_in_dim3A : vector<1x512xf32> to vector<25x512xf32>
    %mul3A_10 = arith.mulf %reduce_sum3A_5, %mul3A : vector<25x512xf32>
    %broadcast_in_dim3A_11 = vector.shape_cast %mul3A_10 : vector<25x512xf32> to vector<1x25x512xf32>
    %swap3A = arith.constant 0 : index
    %swap3A_12 = arith.constant 0 : index
    %swap3A_13 = arith.constant 0 : index
    %swap3A_14 = vector.load %arg5[%swap3A, %swap3A_12, %swap3A_13] : memref<1x25x512xf32, #tpu.memory_space<vmem>>, vector<1x25x512xf32>
    tpu.vector_store %arg5[%swap3A, %swap3A_12, %swap3A_13], %broadcast_in_dim3A_11 {strides = array<i32>} : memref<1x25x512xf32, #tpu.memory_space<vmem>>, vector<1x25x512xf32>,
    %get3A_15 = arith.constant 0 : index
    %get3A_16 = arith.constant 0 : index
    %get3A_17 = arith.constant 0 : index
    %get3A_18 = arith.constant 0 : index
    %get3A_19 = vector.load %arg3[%get3A_15, %get3A_16, %get3A_17, %get3A_18] : memref<1x25x250x512xf32, #tpu.memory_space<vmem>>, vector<1x25x250x512xf32>
    %get3A_20 = vector.shape_cast %get3A_19 : vector<1x25x250x512xf32> to vector<25x250x512xf32>
    %reduce_sum3A_21 = arith.constant dense<0.000000e+00> : vector<25x512xf32>
    %reduce_sum3A_22 = vector.multi_reduction <add>, %get3A_20, %reduce_sum3A_21 [1] : vector<25x250x512xf32> to vector<25x512xf32>
    %get3A_23 = arith.constant 0 : index
    %get3A_24 = arith.constant 512 : index
    %get3A_25 = vector.load %arg4[%get3A_23, %get3A_24] : memref<1x1024xf32, #tpu.memory_space<vmem>>, vector<1x512xf32>
    %get3A_26 = vector.shape_cast %get3A_25 : vector<1x512xf32> to vector<512xf32>
    %broadcast_in_dim3A_27 = vector.shape_cast %get3A_26 : vector<512xf32> to vector<1x512xf32>
    %mul3A_28 = vector.broadcast %broadcast_in_dim3A_27 : vector<1x512xf32> to vector<25x512xf32>
    %mul3A_29 = arith.mulf %reduce_sum3A_22, %mul3A_28 : vector<25x512xf32>
    %broadcast_in_dim3A_30 = vector.shape_cast %mul3A_29 : vector<25x512xf32> to vector<1x25x512xf32>
    %swap3A_31 = arith.constant 0 : index
    %swap3A_32 = arith.constant 0 : index
    %swap3A_33 = arith.constant 0 : index
    %swap3A_34 = vector.load %arg6[%swap3A_31, %swap3A_32, %swap3A_33] : memref<1x25x512xf32, #tpu.memory_space<vmem>>, vector<1x25x512xf32>
    tpu.vector_store %arg6[%swap3A_31, %swap3A_32, %swap3A_33], %broadcast_in_dim3A_30 {strides = array<i32>} : memref<1x25x512xf32, #tpu.memory_space<vmem>>, vector<1x25x512xf32>,
    return
  }
  func.func @transform_0(%arg0: i32, %arg1: i32) -> (i32, i32, i32, i32) {
    %c0_i32 = arith.constant 0 : i32
    %c0_i32_0 = arith.constant 0 : i32
    %c0_i32_1 = arith.constant 0 : i32
    return %arg0, %arg1, %c0_i32, %c0_i32_0 : i32, i32, i32, i32
  }
  func.func @transform_1(%arg0: i32, %arg1: i32) -> (i32, i32, i32, i32) {
    %c0_i32 = arith.constant 0 : i32
    %c1_i32 = arith.constant 1 : i32
    %c0_i32_0 = arith.constant 0 : i32
    return %arg0, %arg1, %c0_i32, %c1_i32 : i32, i32, i32, i32
  }
  func.func @transform_2(%arg0: i32, %arg1: i32) -> (i32, i32) {
    %c0_i32 = arith.constant 0 : i32
    %c0_i32_0 = arith.constant 0 : i32
    %c0_i32_1 = arith.constant 0 : i32
    return %c0_i32, %c0_i32_0 : i32, i32
  }
  func.func @transform_3(%arg0: i32, %arg1: i32) -> (i32, i32, i32) {
    %mul3A = arith.constant 1 : i32
    %mul3A_0 = arith.muli %arg0, %mul3A : i32
    %add3A = arith.addi %mul3A_0, %arg1 : i32
    %c0_i32 = arith.constant 0 : i32
    %c0_i32_1 = arith.constant 0 : i32
    %c0_i32_2 = arith.constant 0 : i32
    return %add3A, %c0_i32, %c0_i32_1 : i32, i32, i32
  }
  func.func @transform_4(%arg0: i32, %arg1: i32) -> (i32, i32, i32) {
    %mul3A = arith.constant 1 : i32
    %mul3A_0 = arith.muli %arg0, %mul3A : i32
    %add3A = arith.addi %mul3A_0, %arg1 : i32
    %c0_i32 = arith.constant 0 : i32
    %c0_i32_1 = arith.constant 0 : i32
    %c0_i32_2 = arith.constant 0 : i32
    return %add3A, %c0_i32, %c0_i32_1 : i32, i32, i32
  }
}

module attributes {stable_mosaic.version = 14 : i64} {
  func.func @_topk_body(%arg0: memref<8x25x512xf32, #tpu.memory_space<vmem>>, %arg1: memref<8x25x512xf32, #tpu.memory_space<vmem>>, %arg2: memref<1x1xf32, #tpu.memory_space<smem>>, %arg3: memref<8x24xf32, #tpu.memory_space<vmem>>, %arg4: memref<8x3xf32, #tpu.memory_space<vmem>>, %arg5: memref<8x3xi32, #tpu.memory_space<vmem>>, %arg6: memref<8x48xi32, #tpu.memory_space<vmem>>) attributes {dimension_semantics = [], scalar_prefetch = 0 : i64, scratch_operands = 0 : i64, tpu.core_type = #tpu.core_type<tc>} {
    %get3A = arith.constant 0 : index
    %get3A_0 = arith.constant 0 : index
    %get3A_1 = arith.constant 0 : index
    %get3A_2 = vector.load %arg0[%get3A, %get3A_0, %get3A_1] : memref<8x25x512xf32, #tpu.memory_space<vmem>>, vector<8x25x512xf32>
    %reduce_sum3A = arith.constant dense<0.000000e+00> : vector<8x25xf32>
    %reduce_sum3A_3 = vector.multi_reduction <add>, %get3A_2, %reduce_sum3A [2] : vector<8x25x512xf32> to vector<8x25xf32>
    %get3A_4 = arith.constant 0 : index
    %get3A_5 = arith.constant 0 : index
    %get3A_6 = arith.constant 0 : index
    %get3A_7 = vector.load %arg1[%get3A_4, %get3A_5, %get3A_6] : memref<8x25x512xf32, #tpu.memory_space<vmem>>, vector<8x25x512xf32>
    %reduce_sum3A_8 = arith.constant dense<0.000000e+00> : vector<8x25xf32>
    %reduce_sum3A_9 = vector.multi_reduction <add>, %get3A_7, %reduce_sum3A_8 [2] : vector<8x25x512xf32> to vector<8x25xf32>
    %add3A = arith.addf %reduce_sum3A_3, %reduce_sum3A_9 : vector<8x25xf32>
    %slice3A = vector.extract_strided_slice %add3A {offsets = [0, 1], sizes = [8, 24], strides = [1, 1]} : vector<8x25xf32> to vector<8x24xf32>
    %div3A = arith.constant 2.500000e+02 : f32
    %div3A_10 = vector.broadcast %div3A : f32 to vector<8x24xf32>
    %div3A_11 = arith.divf %slice3A, %div3A_10 : vector<8x24xf32>
    %get3A_12 = arith.constant 0 : index
    %get3A_13 = arith.constant 0 : index
    %get3A_14 = memref.load %arg2[%get3A_12, %get3A_13] : memref<1x1xf32, #tpu.memory_space<smem>>
    %add3A_15 = vector.broadcast %get3A_14 : f32 to vector<8x24xf32>
    %add3A_16 = arith.addf %div3A_11, %add3A_15 : vector<8x24xf32>
    %swap3A = arith.constant 0 : index
    %swap3A_17 = arith.constant 0 : index
    %swap3A_18 = vector.load %arg3[%swap3A, %swap3A_17] : memref<8x24xf32, #tpu.memory_space<vmem>>, vector<8x24xf32>
    tpu.vector_store %arg3[%swap3A, %swap3A_17], %add3A_16 {strides = array<i32>} : memref<8x24xf32, #tpu.memory_space<vmem>>, vector<8x24xf32>,
    %reduce_max3A = arith.constant dense<0xFF800000> : vector<8xf32>
    %reduce_max3A_19 = vector.multi_reduction <maximumf>, %add3A_16, %reduce_max3A [1] : vector<8x24xf32> to vector<8xf32>
    %broadcast_in_dim3A = vector.shape_cast %reduce_max3A_19 : vector<8xf32> to vector<8x1xf32>
    %sub3A = vector.broadcast %broadcast_in_dim3A : vector<8x1xf32> to vector<8x24xf32>
    %sub3A_20 = arith.subf %add3A_16, %sub3A : vector<8x24xf32>
    %exp3A = math.exp %sub3A_20 : vector<8x24xf32>
    %reduce_sum3A_21 = arith.constant dense<0.000000e+00> : vector<8xf32>
    %reduce_sum3A_22 = vector.multi_reduction <add>, %exp3A, %reduce_sum3A_21 [1] : vector<8x24xf32> to vector<8xf32>
    %broadcast_in_dim3A_23 = vector.shape_cast %reduce_sum3A_22 : vector<8xf32> to vector<8x1xf32>
    %div3A_24 = vector.broadcast %broadcast_in_dim3A_23 : vector<8x1xf32> to vector<8x24xf32>
    %div3A_25 = arith.divf %exp3A, %div3A_24 : vector<8x24xf32>
    %iota3A = tpu.iota {dimensions = array<i32: 1>} : vector<8x24xi32>
    %reduce_max3A_26 = arith.constant dense<0xFF800000> : vector<8xf32>
    %reduce_max3A_27 = vector.multi_reduction <maximumf>, %div3A_25, %reduce_max3A_26 [1] : vector<8x24xf32> to vector<8xf32>
    %broadcast_in_dim3A_28 = vector.shape_cast %reduce_max3A_27 : vector<8xf32> to vector<8x1xf32>
    %eq3A = vector.broadcast %broadcast_in_dim3A_28 : vector<8x1xf32> to vector<8x24xf32>
    %eq3A_29 = arith.cmpf oeq, %div3A_25, %eq3A : vector<8x24xf32>
    %jit3A = arith.constant 24 : i32
    %broadcast_in_dim3A_30 = vector.broadcast %jit3A : i32 to vector<8x24xi32>
    %select_n3A = arith.select %eq3A_29, %iota3A, %broadcast_in_dim3A_30 : vector<8x24xi1>, vector<8x24xi32>
    %reduce_min3A = arith.constant dense<2147483647> : vector<8xi32>
    %reduce_min3A_31 = vector.multi_reduction <minsi>, %select_n3A, %reduce_min3A [1] : vector<8x24xi32> to vector<8xi32>
    %broadcast_in_dim3A_32 = vector.shape_cast %reduce_min3A_31 : vector<8xi32> to vector<8x1xi32>
    %squeeze3A = vector.shape_cast %broadcast_in_dim3A_28 : vector<8x1xf32> to vector<8xf32>
    %swap3A_33 = arith.constant 0 : index
    %swap3A_34 = arith.constant 0 : index
    %swap3A_35 = vector.load %arg4[%swap3A_33, %swap3A_34] : memref<8x3xf32, #tpu.memory_space<vmem>>, vector<8x1xf32>
    %swap3A_36 = vector.shape_cast %swap3A_35 : vector<8x1xf32> to vector<8xf32>
    %swap3A_37 = vector.shape_cast %squeeze3A : vector<8xf32> to vector<8x1xf32>
    tpu.vector_store %arg4[%swap3A_33, %swap3A_34], %swap3A_37 {strides = array<i32>} : memref<8x3xf32, #tpu.memory_space<vmem>>, vector<8x1xf32>,
    %squeeze3A_38 = vector.shape_cast %broadcast_in_dim3A_32 : vector<8x1xi32> to vector<8xi32>
    %swap3A_39 = arith.constant 0 : index
    %swap3A_40 = arith.constant 0 : index
    %swap3A_41 = vector.load %arg5[%swap3A_39, %swap3A_40] : memref<8x3xi32, #tpu.memory_space<vmem>>, vector<8x1xi32>
    %swap3A_42 = vector.shape_cast %swap3A_41 : vector<8x1xi32> to vector<8xi32>
    %swap3A_43 = vector.shape_cast %squeeze3A_38 : vector<8xi32> to vector<8x1xi32>
    tpu.vector_store %arg5[%swap3A_39, %swap3A_40], %swap3A_43 {strides = array<i32>} : memref<8x3xi32, #tpu.memory_space<vmem>>, vector<8x1xi32>,
    %eq3A_44 = vector.broadcast %broadcast_in_dim3A_32 : vector<8x1xi32> to vector<8x24xi32>
    %eq3A_45 = arith.cmpi eq, %iota3A, %eq3A_44 : vector<8x24xi32>
    %jit3A_46 = arith.constant 0xFF800000 : f32
    %broadcast_in_dim3A_47 = vector.broadcast %jit3A_46 : f32 to vector<8x24xf32>
    %select_n3A_48 = arith.select %eq3A_45, %broadcast_in_dim3A_47, %div3A_25 : vector<8x24xi1>, vector<8x24xf32>
    %reduce_max3A_49 = arith.constant dense<0xFF800000> : vector<8xf32>
    %reduce_max3A_50 = vector.multi_reduction <maximumf>, %select_n3A_48, %reduce_max3A_49 [1] : vector<8x24xf32> to vector<8xf32>
    %broadcast_in_dim3A_51 = vector.shape_cast %reduce_max3A_50 : vector<8xf32> to vector<8x1xf32>
    %eq3A_52 = vector.broadcast %broadcast_in_dim3A_51 : vector<8x1xf32> to vector<8x24xf32>
    %eq3A_53 = arith.cmpf oeq, %select_n3A_48, %eq3A_52 : vector<8x24xf32>
    %jit3A_54 = arith.constant 24 : i32
    %broadcast_in_dim3A_55 = vector.broadcast %jit3A_54 : i32 to vector<8x24xi32>
    %select_n3A_56 = arith.select %eq3A_53, %iota3A, %broadcast_in_dim3A_55 : vector<8x24xi1>, vector<8x24xi32>
    %reduce_min3A_57 = arith.constant dense<2147483647> : vector<8xi32>
    %reduce_min3A_58 = vector.multi_reduction <minsi>, %select_n3A_56, %reduce_min3A_57 [1] : vector<8x24xi32> to vector<8xi32>
    %broadcast_in_dim3A_59 = vector.shape_cast %reduce_min3A_58 : vector<8xi32> to vector<8x1xi32>
    %squeeze3A_60 = vector.shape_cast %broadcast_in_dim3A_51 : vector<8x1xf32> to vector<8xf32>
    %swap3A_61 = arith.constant 0 : index
    %swap3A_62 = arith.constant 1 : index
    %swap3A_63 = vector.load %arg4[%swap3A_61, %swap3A_62] : memref<8x3xf32, #tpu.memory_space<vmem>>, vector<8x1xf32>
    %swap3A_64 = vector.shape_cast %swap3A_63 : vector<8x1xf32> to vector<8xf32>
    %swap3A_65 = vector.shape_cast %squeeze3A_60 : vector<8xf32> to vector<8x1xf32>
    tpu.vector_store %arg4[%swap3A_61, %swap3A_62], %swap3A_65 {strides = array<i32>} : memref<8x3xf32, #tpu.memory_space<vmem>>, vector<8x1xf32>,
    %squeeze3A_66 = vector.shape_cast %broadcast_in_dim3A_59 : vector<8x1xi32> to vector<8xi32>
    %swap3A_67 = arith.constant 0 : index
    %swap3A_68 = arith.constant 1 : index
    %swap3A_69 = vector.load %arg5[%swap3A_67, %swap3A_68] : memref<8x3xi32, #tpu.memory_space<vmem>>, vector<8x1xi32>
    %swap3A_70 = vector.shape_cast %swap3A_69 : vector<8x1xi32> to vector<8xi32>
    %swap3A_71 = vector.shape_cast %squeeze3A_66 : vector<8xi32> to vector<8x1xi32>
    tpu.vector_store %arg5[%swap3A_67, %swap3A_68], %swap3A_71 {strides = array<i32>} : memref<8x3xi32, #tpu.memory_space<vmem>>, vector<8x1xi32>,
    %eq3A_72 = vector.broadcast %broadcast_in_dim3A_59 : vector<8x1xi32> to vector<8x24xi32>
    %eq3A_73 = arith.cmpi eq, %iota3A, %eq3A_72 : vector<8x24xi32>
    %jit3A_74 = arith.constant 0xFF800000 : f32
    %broadcast_in_dim3A_75 = vector.broadcast %jit3A_74 : f32 to vector<8x24xf32>
    %select_n3A_76 = arith.select %eq3A_73, %broadcast_in_dim3A_75, %select_n3A_48 : vector<8x24xi1>, vector<8x24xf32>
    %reduce_max3A_77 = arith.constant dense<0xFF800000> : vector<8xf32>
    %reduce_max3A_78 = vector.multi_reduction <maximumf>, %select_n3A_76, %reduce_max3A_77 [1] : vector<8x24xf32> to vector<8xf32>
    %broadcast_in_dim3A_79 = vector.shape_cast %reduce_max3A_78 : vector<8xf32> to vector<8x1xf32>
    %eq3A_80 = vector.broadcast %broadcast_in_dim3A_79 : vector<8x1xf32> to vector<8x24xf32>
    %eq3A_81 = arith.cmpf oeq, %select_n3A_76, %eq3A_80 : vector<8x24xf32>
    %jit3A_82 = arith.constant 24 : i32
    %broadcast_in_dim3A_83 = vector.broadcast %jit3A_82 : i32 to vector<8x24xi32>
    %select_n3A_84 = arith.select %eq3A_81, %iota3A, %broadcast_in_dim3A_83 : vector<8x24xi1>, vector<8x24xi32>
    %reduce_min3A_85 = arith.constant dense<2147483647> : vector<8xi32>
    %reduce_min3A_86 = vector.multi_reduction <minsi>, %select_n3A_84, %reduce_min3A_85 [1] : vector<8x24xi32> to vector<8xi32>
    %broadcast_in_dim3A_87 = vector.shape_cast %reduce_min3A_86 : vector<8xi32> to vector<8x1xi32>
    %squeeze3A_88 = vector.shape_cast %broadcast_in_dim3A_79 : vector<8x1xf32> to vector<8xf32>
    %swap3A_89 = arith.constant 0 : index
    %swap3A_90 = arith.constant 2 : index
    %swap3A_91 = vector.load %arg4[%swap3A_89, %swap3A_90] : memref<8x3xf32, #tpu.memory_space<vmem>>, vector<8x1xf32>
    %swap3A_92 = vector.shape_cast %swap3A_91 : vector<8x1xf32> to vector<8xf32>
    %swap3A_93 = vector.shape_cast %squeeze3A_88 : vector<8xf32> to vector<8x1xf32>
    tpu.vector_store %arg4[%swap3A_89, %swap3A_90], %swap3A_93 {strides = array<i32>} : memref<8x3xf32, #tpu.memory_space<vmem>>, vector<8x1xf32>,
    %squeeze3A_94 = vector.shape_cast %broadcast_in_dim3A_87 : vector<8x1xi32> to vector<8xi32>
    %swap3A_95 = arith.constant 0 : index
    %swap3A_96 = arith.constant 2 : index
    %swap3A_97 = vector.load %arg5[%swap3A_95, %swap3A_96] : memref<8x3xi32, #tpu.memory_space<vmem>>, vector<8x1xi32>
    %swap3A_98 = vector.shape_cast %swap3A_97 : vector<8x1xi32> to vector<8xi32>
    %swap3A_99 = vector.shape_cast %squeeze3A_94 : vector<8xi32> to vector<8x1xi32>
    tpu.vector_store %arg5[%swap3A_95, %swap3A_96], %swap3A_99 {strides = array<i32>} : memref<8x3xi32, #tpu.memory_space<vmem>>, vector<8x1xi32>,
    %concatenate3A = tpu.concatenate %broadcast_in_dim3A_32, %broadcast_in_dim3A_32, %broadcast_in_dim3A_32, %broadcast_in_dim3A_32, %broadcast_in_dim3A_32, %broadcast_in_dim3A_32, %broadcast_in_dim3A_32, %broadcast_in_dim3A_32, %broadcast_in_dim3A_32, %broadcast_in_dim3A_32, %broadcast_in_dim3A_32, %broadcast_in_dim3A_32, %broadcast_in_dim3A_32, %broadcast_in_dim3A_32, %broadcast_in_dim3A_32, %broadcast_in_dim3A_32, %broadcast_in_dim3A_59, %broadcast_in_dim3A_59, %broadcast_in_dim3A_59, %broadcast_in_dim3A_59, %broadcast_in_dim3A_59, %broadcast_in_dim3A_59, %broadcast_in_dim3A_59, %broadcast_in_dim3A_59, %broadcast_in_dim3A_59, %broadcast_in_dim3A_59, %broadcast_in_dim3A_59, %broadcast_in_dim3A_59, %broadcast_in_dim3A_59, %broadcast_in_dim3A_59, %broadcast_in_dim3A_59, %broadcast_in_dim3A_59, %broadcast_in_dim3A_87, %broadcast_in_dim3A_87, %broadcast_in_dim3A_87, %broadcast_in_dim3A_87, %broadcast_in_dim3A_87, %broadcast_in_dim3A_87, %broadcast_in_dim3A_87, %broadcast_in_dim3A_87, %broadcast_in_dim3A_87, %broadcast_in_dim3A_87, %broadcast_in_dim3A_87, %broadcast_in_dim3A_87, %broadcast_in_dim3A_87, %broadcast_in_dim3A_87, %broadcast_in_dim3A_87, %broadcast_in_dim3A_87 in 1 : vector<8x1xi32>, vector<8x1xi32>, vector<8x1xi32>, vector<8x1xi32>, vector<8x1xi32>, vector<8x1xi32>, vector<8x1xi32>, vector<8x1xi32>, vector<8x1xi32>, vector<8x1xi32>, vector<8x1xi32>, vector<8x1xi32>, vector<8x1xi32>, vector<8x1xi32>, vector<8x1xi32>, vector<8x1xi32>, vector<8x1xi32>, vector<8x1xi32>, vector<8x1xi32>, vector<8x1xi32>, vector<8x1xi32>, vector<8x1xi32>, vector<8x1xi32>, vector<8x1xi32>, vector<8x1xi32>, vector<8x1xi32>, vector<8x1xi32>, vector<8x1xi32>, vector<8x1xi32>, vector<8x1xi32>, vector<8x1xi32>, vector<8x1xi32>, vector<8x1xi32>, vector<8x1xi32>, vector<8x1xi32>, vector<8x1xi32>, vector<8x1xi32>, vector<8x1xi32>, vector<8x1xi32>, vector<8x1xi32>, vector<8x1xi32>, vector<8x1xi32>, vector<8x1xi32>, vector<8x1xi32>, vector<8x1xi32>, vector<8x1xi32>, vector<8x1xi32>, vector<8x1xi32> -> vector<8x48xi32>
    %iota3A_100 = tpu.iota {dimensions = array<i32: 0>} : vector<8x48xi32>
    %iota3A_101 = tpu.iota {dimensions = array<i32: 1>} : vector<8x48xi32>
    %jit3A_102 = arith.constant 16 : i32
    %eq3A_103 = arith.constant 0 : i32
    %eq3A_104 = arith.cmpi eq, %jit3A_102, %eq3A_103 : i32
    %jit3A_105 = arith.constant 1 : i32
    %select_n3A_106 = arith.select %eq3A_104, %jit3A_105, %jit3A_102 : i32
    %rem3A = vector.broadcast %select_n3A_106 : i32 to vector<8x48xi32>
    %rem3A_107 = arith.remsi %iota3A_101, %rem3A : vector<8x48xi32>
    %ne3A = arith.constant 0 : i32
    %ne3A_108 = vector.broadcast %ne3A : i32 to vector<8x48xi32>
    %ne3A_109 = arith.cmpi ne, %rem3A_107, %ne3A_108 : vector<8x48xi32>
    %lt3A = arith.constant 0 : i32
    %lt3A_110 = vector.broadcast %lt3A : i32 to vector<8x48xi32>
    %lt3A_111 = arith.cmpi slt, %rem3A_107, %lt3A_110 : vector<8x48xi32>
    %lt3A_112 = arith.constant 0 : i32
    %lt3A_113 = arith.cmpi slt, %select_n3A_106, %lt3A_112 : i32
    %ne3A_114 = vector.broadcast %lt3A_113 : i1 to vector<8x48xi1>
    %ne3A_115 = vector.broadcast %ne3A_114 : vector<8x48xi1> to vector<8x48xi1>
    %ne3A_116 = arith.xori %lt3A_111, %ne3A_115 : vector<8x48xi1>
    %and3A = arith.andi %ne3A_116, %ne3A_109 : vector<8x48xi1>
    %add3A_117 = vector.broadcast %select_n3A_106 : i32 to vector<8x48xi32>
    %add3A_118 = arith.addi %rem3A_107, %add3A_117 : vector<8x48xi32>
    %select_n3A_119 = arith.select %and3A, %add3A_118, %rem3A_107 : vector<8x48xi1>, vector<8x48xi32>
    %mul3A = arith.constant 25 : i32
    %mul3A_120 = vector.broadcast %mul3A : i32 to vector<8x48xi32>
    %mul3A_121 = arith.muli %iota3A_100, %mul3A_120 : vector<8x48xi32>
    %add3A_122 = arith.addi %mul3A_121, %concatenate3A : vector<8x48xi32>
    %add3A_123 = arith.constant 1 : i32
    %add3A_124 = vector.broadcast %add3A_123 : i32 to vector<8x48xi32>
    %add3A_125 = arith.addi %add3A_122, %add3A_124 : vector<8x48xi32>
    %mul3A_126 = arith.constant 16 : i32
    %mul3A_127 = vector.broadcast %mul3A_126 : i32 to vector<8x48xi32>
    %mul3A_128 = arith.muli %add3A_125, %mul3A_127 : vector<8x48xi32>
    %add3A_129 = arith.addi %mul3A_128, %select_n3A_119 : vector<8x48xi32>
    %swap3A_130 = arith.constant 0 : index
    %swap3A_131 = arith.constant 0 : index
    %swap3A_132 = vector.load %arg6[%swap3A_130, %swap3A_131] : memref<8x48xi32, #tpu.memory_space<vmem>>, vector<8x48xi32>
    tpu.vector_store %arg6[%swap3A_130, %swap3A_131], %add3A_129 {strides = array<i32>} : memref<8x48xi32, #tpu.memory_space<vmem>>, vector<8x48xi32>,
    return
  }
}

module attributes {stable_mosaic.version = 14 : i64} {
  func.func @_combine_body(%arg0: i32, %arg1: memref<8x3xi32, #tpu.memory_space<smem>>, %arg2: memref<8x3xf32, #tpu.memory_space<smem>>, %arg3: memref<1x1x250x1024xf32, #tpu.memory_space<vmem>>, %arg4: memref<1x1x250x1024xf32, #tpu.memory_space<vmem>>, %arg5: memref<1x1x250x1024xf32, #tpu.memory_space<vmem>>, %arg6: memref<1x1024xf32, #tpu.memory_space<vmem>>, %arg7: memref<1x1024xf32, #tpu.memory_space<vmem>>, %arg8: memref<1024x128xf32, #tpu.memory_space<vmem>>, %arg9: memref<1x128xf32, #tpu.memory_space<vmem>>, %arg10: memref<1x1x128xf32, #tpu.memory_space<vmem>>) attributes {dimension_semantics = [#tpu.dimension_semantics<arbitrary>], iteration_bounds = array<i64: 8>, scalar_prefetch = 2 : i64, scratch_operands = 0 : i64, tpu.core_type = #tpu.core_type<tc>, window_params = [{transform_indices = @transform_0, window_bounds = array<i64: 1, 1, 250, 1024>}, {transform_indices = @transform_1, window_bounds = array<i64: 1, 1, 250, 1024>}, {transform_indices = @transform_2, window_bounds = array<i64: 1, 1, 250, 1024>}, {pipeline_mode = #tpu.pipeline_mode<synchronous>, transform_indices = @transform_3, window_bounds = array<i64: 1, 1024>}, {pipeline_mode = #tpu.pipeline_mode<synchronous>, transform_indices = @transform_4, window_bounds = array<i64: 1, 1024>}, {pipeline_mode = #tpu.pipeline_mode<synchronous>, transform_indices = @transform_5, window_bounds = array<i64: 1024, 128>}, {pipeline_mode = #tpu.pipeline_mode<synchronous>, transform_indices = @transform_6, window_bounds = array<i64: 1, 128>}, {transform_indices = @transform_7, window_bounds = array<i64: 1, 1, 128>}]} {
    %get3A = arith.constant 0 : index
    %get3A_0 = arith.constant 0 : index
    %get3A_1 = arith.constant 0 : index
    %get3A_2 = arith.constant 0 : index
    %get3A_3 = vector.load %arg3[%get3A, %get3A_0, %get3A_1, %get3A_2] : memref<1x1x250x1024xf32, #tpu.memory_space<vmem>>, vector<1x1x250x1024xf32>
    %get3A_4 = vector.shape_cast %get3A_3 : vector<1x1x250x1024xf32> to vector<250x1024xf32>
    %get3A_5 = arith.index_cast %arg0 : i32 to index
    %get3A_6 = arith.constant 0 : index
    %get3A_7 = memref.load %arg2[%get3A_5, %get3A_6] : memref<8x3xf32, #tpu.memory_space<smem>>
    %mul3A = vector.broadcast %get3A_7 : f32 to vector<250x1024xf32>
    %mul3A_8 = arith.mulf %get3A_4, %mul3A : vector<250x1024xf32>
    %get3A_9 = arith.constant 0 : index
    %get3A_10 = arith.constant 0 : index
    %get3A_11 = arith.constant 0 : index
    %get3A_12 = arith.constant 0 : index
    %get3A_13 = vector.load %arg4[%get3A_9, %get3A_10, %get3A_11, %get3A_12] : memref<1x1x250x1024xf32, #tpu.memory_space<vmem>>, vector<1x1x250x1024xf32>
    %get3A_14 = vector.shape_cast %get3A_13 : vector<1x1x250x1024xf32> to vector<250x1024xf32>
    %get3A_15 = arith.index_cast %arg0 : i32 to index
    %get3A_16 = arith.constant 1 : index
    %get3A_17 = memref.load %arg2[%get3A_15, %get3A_16] : memref<8x3xf32, #tpu.memory_space<smem>>
    %mul3A_18 = vector.broadcast %get3A_17 : f32 to vector<250x1024xf32>
    %mul3A_19 = arith.mulf %get3A_14, %mul3A_18 : vector<250x1024xf32>
    %add3A = arith.addf %mul3A_8, %mul3A_19 : vector<250x1024xf32>
    %get3A_20 = arith.constant 0 : index
    %get3A_21 = arith.constant 0 : index
    %get3A_22 = arith.constant 0 : index
    %get3A_23 = arith.constant 0 : index
    %get3A_24 = vector.load %arg5[%get3A_20, %get3A_21, %get3A_22, %get3A_23] : memref<1x1x250x1024xf32, #tpu.memory_space<vmem>>, vector<1x1x250x1024xf32>
    %get3A_25 = vector.shape_cast %get3A_24 : vector<1x1x250x1024xf32> to vector<250x1024xf32>
    %get3A_26 = arith.index_cast %arg0 : i32 to index
    %get3A_27 = arith.constant 2 : index
    %get3A_28 = memref.load %arg2[%get3A_26, %get3A_27] : memref<8x3xf32, #tpu.memory_space<smem>>
    %mul3A_29 = vector.broadcast %get3A_28 : f32 to vector<250x1024xf32>
    %mul3A_30 = arith.mulf %get3A_25, %mul3A_29 : vector<250x1024xf32>
    %add3A_31 = arith.addf %add3A, %mul3A_30 : vector<250x1024xf32>
    %reduce_max3A = arith.constant dense<0xFF800000> : vector<1024xf32>
    %reduce_max3A_32 = vector.multi_reduction <maximumf>, %add3A_31, %reduce_max3A [0] : vector<250x1024xf32> to vector<1024xf32>
    %reduce_sum3A = vector.shape_cast %reduce_max3A_32 : vector<1024xf32> to vector<1x1024xf32>
    %reduce_sum3A_33 = arith.constant dense<0.000000e+00> : vector<1xf32>
    %reduce_sum3A_34 = vector.multi_reduction <add>, %reduce_sum3A, %reduce_sum3A_33 [1] : vector<1x1024xf32> to vector<1xf32>
    %reduce_sum3A_35 = vector.shape_cast %reduce_sum3A_34 : vector<1xf32> to vector<1x1xf32>
    %reduce_sum3A_36 = vector.extract %reduce_sum3A_35[0, 0] : f32 from vector<1x1xf32>
    %div3A = arith.constant 1.024000e+03 : f32
    %div3A_37 = arith.divf %reduce_sum3A_36, %div3A : f32
    %sub3A = vector.broadcast %div3A_37 : f32 to vector<1024xf32>
    %sub3A_38 = arith.subf %reduce_max3A_32, %sub3A : vector<1024xf32>
    %integer_pow3A = arith.mulf %sub3A_38, %sub3A_38 : vector<1024xf32>
    %reduce_sum3A_39 = vector.shape_cast %integer_pow3A : vector<1024xf32> to vector<1x1024xf32>
    %reduce_sum3A_40 = arith.constant dense<0.000000e+00> : vector<1xf32>
    %reduce_sum3A_41 = vector.multi_reduction <add>, %reduce_sum3A_39, %reduce_sum3A_40 [1] : vector<1x1024xf32> to vector<1xf32>
    %reduce_sum3A_42 = vector.shape_cast %reduce_sum3A_41 : vector<1xf32> to vector<1x1xf32>
    %reduce_sum3A_43 = vector.extract %reduce_sum3A_42[0, 0] : f32 from vector<1x1xf32>
    %div3A_44 = arith.constant 1.024000e+03 : f32
    %div3A_45 = arith.divf %reduce_sum3A_43, %div3A_44 : f32
    %sub3A_46 = vector.broadcast %div3A_37 : f32 to vector<1024xf32>
    %sub3A_47 = arith.subf %reduce_max3A_32, %sub3A_46 : vector<1024xf32>
    %add3A_48 = arith.constant 9.99999974E-6 : f32
    %add3A_49 = arith.addf %div3A_45, %add3A_48 : f32
    %rsqrt3A = math.rsqrt %add3A_49 : f32
    %mul3A_50 = vector.broadcast %rsqrt3A : f32 to vector<1024xf32>
    %mul3A_51 = arith.mulf %sub3A_47, %mul3A_50 : vector<1024xf32>
    %get3A_52 = arith.constant 0 : index
    %get3A_53 = arith.constant 0 : index
    %get3A_54 = vector.load %arg6[%get3A_52, %get3A_53] : memref<1x1024xf32, #tpu.memory_space<vmem>>, vector<1x1024xf32>
    %get3A_55 = vector.shape_cast %get3A_54 : vector<1x1024xf32> to vector<1024xf32>
    %mul3A_56 = arith.mulf %mul3A_51, %get3A_55 : vector<1024xf32>
    %get3A_57 = arith.constant 0 : index
    %get3A_58 = arith.constant 0 : index
    %get3A_59 = vector.load %arg7[%get3A_57, %get3A_58] : memref<1x1024xf32, #tpu.memory_space<vmem>>, vector<1x1024xf32>
    %get3A_60 = vector.shape_cast %get3A_59 : vector<1x1024xf32> to vector<1024xf32>
    %add3A_61 = arith.addf %mul3A_56, %get3A_60 : vector<1024xf32>
    %broadcast_in_dim3A = vector.shape_cast %add3A_61 : vector<1024xf32> to vector<1x1024xf32>
    %get3A_62 = arith.constant 0 : index
    %get3A_63 = arith.constant 0 : index
    %get3A_64 = vector.load %arg8[%get3A_62, %get3A_63] : memref<1024x128xf32, #tpu.memory_space<vmem>>, vector<1024x128xf32>
    %dot_general3A = arith.constant dense<0.000000e+00> : vector<1x128xf32>
    %dot_general3A_65 = tpu.matmul %broadcast_in_dim3A, %get3A_64, %dot_general3A {dimension_numbers = #tpu.dot_dimension_numbers<[1], [0], [0], [1], [0, 0, 1, 1], [], []>, transpose_lhs_hint = false} : vector<1x1024xf32>, vector<1024x128xf32>, vector<1x128xf32> -> vector<1x128xf32>
    %get3A_66 = arith.constant 0 : index
    %get3A_67 = arith.constant 0 : index
    %get3A_68 = vector.load %arg9[%get3A_66, %get3A_67] : memref<1x128xf32, #tpu.memory_space<vmem>>, vector<1x128xf32>
    %get3A_69 = vector.shape_cast %get3A_68 : vector<1x128xf32> to vector<128xf32>
    %broadcast_in_dim3A_70 = vector.shape_cast %get3A_69 : vector<128xf32> to vector<1x128xf32>
    %add3A_71 = arith.addf %dot_general3A_65, %broadcast_in_dim3A_70 : vector<1x128xf32>
    %swap3A = arith.constant 0 : index
    %swap3A_72 = arith.constant 0 : index
    %swap3A_73 = arith.constant 0 : index
    %swap3A_74 = vector.load %arg10[%swap3A, %swap3A_72, %swap3A_73] : memref<1x1x128xf32, #tpu.memory_space<vmem>>, vector<1x1x128xf32>
    %swap3A_75 = vector.shape_cast %swap3A_74 : vector<1x1x128xf32> to vector<1x128xf32>
    %swap3A_76 = vector.shape_cast %add3A_71 : vector<1x128xf32> to vector<1x1x128xf32>
    tpu.vector_store %arg10[%swap3A, %swap3A_72, %swap3A_73], %swap3A_76 {strides = array<i32>} : memref<1x1x128xf32, #tpu.memory_space<vmem>>, vector<1x1x128xf32>,
    return
  }
  func.func @transform_0(%arg0: i32, %arg1: memref<8x3xi32, #tpu.memory_space<smem>>, %arg2: memref<8x3xf32, #tpu.memory_space<smem>>) -> (i32, i32, i32, i32) {
    %get3A = arith.index_cast %arg0 : i32 to index
    %get3A_0 = arith.constant 0 : index
    %get3A_1 = memref.load %arg1[%get3A, %get3A_0] : memref<8x3xi32, #tpu.memory_space<smem>>
    %add3A = arith.constant 1 : i32
    %add3A_2 = arith.addi %get3A_1, %add3A : i32
    %c0_i32 = arith.constant 0 : i32
    %c0_i32_3 = arith.constant 0 : i32
    %c0_i32_4 = arith.constant 0 : i32
    return %arg0, %add3A_2, %c0_i32, %c0_i32_3 : i32, i32, i32, i32
  }
  func.func @transform_1(%arg0: i32, %arg1: memref<8x3xi32, #tpu.memory_space<smem>>, %arg2: memref<8x3xf32, #tpu.memory_space<smem>>) -> (i32, i32, i32, i32) {
    %get3A = arith.index_cast %arg0 : i32 to index
    %get3A_0 = arith.constant 1 : index
    %get3A_1 = memref.load %arg1[%get3A, %get3A_0] : memref<8x3xi32, #tpu.memory_space<smem>>
    %add3A = arith.constant 1 : i32
    %add3A_2 = arith.addi %get3A_1, %add3A : i32
    %c0_i32 = arith.constant 0 : i32
    %c0_i32_3 = arith.constant 0 : i32
    %c0_i32_4 = arith.constant 0 : i32
    return %arg0, %add3A_2, %c0_i32, %c0_i32_3 : i32, i32, i32, i32
  }
  func.func @transform_2(%arg0: i32, %arg1: memref<8x3xi32, #tpu.memory_space<smem>>, %arg2: memref<8x3xf32, #tpu.memory_space<smem>>) -> (i32, i32, i32, i32) {
    %get3A = arith.index_cast %arg0 : i32 to index
    %get3A_0 = arith.constant 2 : index
    %get3A_1 = memref.load %arg1[%get3A, %get3A_0] : memref<8x3xi32, #tpu.memory_space<smem>>
    %add3A = arith.constant 1 : i32
    %add3A_2 = arith.addi %get3A_1, %add3A : i32
    %c0_i32 = arith.constant 0 : i32
    %c0_i32_3 = arith.constant 0 : i32
    %c0_i32_4 = arith.constant 0 : i32
    return %arg0, %add3A_2, %c0_i32, %c0_i32_3 : i32, i32, i32, i32
  }
  func.func @transform_3(%arg0: i32, %arg1: memref<8x3xi32, #tpu.memory_space<smem>>, %arg2: memref<8x3xf32, #tpu.memory_space<smem>>) -> (i32, i32) {
    %c0_i32 = arith.constant 0 : i32
    %c0_i32_0 = arith.constant 0 : i32
    %c0_i32_1 = arith.constant 0 : i32
    return %c0_i32, %c0_i32_0 : i32, i32
  }
  func.func @transform_4(%arg0: i32, %arg1: memref<8x3xi32, #tpu.memory_space<smem>>, %arg2: memref<8x3xf32, #tpu.memory_space<smem>>) -> (i32, i32) {
    %c0_i32 = arith.constant 0 : i32
    %c0_i32_0 = arith.constant 0 : i32
    %c0_i32_1 = arith.constant 0 : i32
    return %c0_i32, %c0_i32_0 : i32, i32
  }
  func.func @transform_5(%arg0: i32, %arg1: memref<8x3xi32, #tpu.memory_space<smem>>, %arg2: memref<8x3xf32, #tpu.memory_space<smem>>) -> (i32, i32) {
    %c0_i32 = arith.constant 0 : i32
    %c0_i32_0 = arith.constant 0 : i32
    %c0_i32_1 = arith.constant 0 : i32
    return %c0_i32, %c0_i32_0 : i32, i32
  }
  func.func @transform_6(%arg0: i32, %arg1: memref<8x3xi32, #tpu.memory_space<smem>>, %arg2: memref<8x3xf32, #tpu.memory_space<smem>>) -> (i32, i32) {
    %c0_i32 = arith.constant 0 : i32
    %c0_i32_0 = arith.constant 0 : i32
    %c0_i32_1 = arith.constant 0 : i32
    return %c0_i32, %c0_i32_0 : i32, i32
  }
  func.func @transform_7(%arg0: i32, %arg1: memref<8x3xi32, #tpu.memory_space<smem>>, %arg2: memref<8x3xf32, #tpu.memory_space<smem>>) -> (i32, i32, i32) {
    %c0_i32 = arith.constant 0 : i32
    %c0_i32_0 = arith.constant 0 : i32
    %c0_i32_1 = arith.constant 0 : i32
    return %arg0, %c0_i32, %c0_i32_0 : i32, i32, i32
  }
}

</mosaic_0001>

<sc_bundles>
// kernel: kernel.6.cloned.1.call-start
scs
__scs_entry_jumppad:
0x0: {  	(pc) =	sbr.rel $0x88, $3  }
0x1: {  	(tag) =	ssettag $0x0;
	lr =	simm.s32 $0x1  }
0x2: {  	[smem:$0x3F9A] =	sst lr;
	_ =	strace $0xD0000000  }
0x3: {  	_ = 	snop  }
0x4: {  	_ = 	snop  }
0x5: {  	_ = 	snop  }
0x6: {  	_ = 	snop  }
0x7: {  	_ = 	snop  }
__scs_overlays_trampoline_lowered:
0x8: {  	[smem:$0x3FA9] =	sst s0  }
0x9: {  	[smem:$0x3FAA] =	sst s1  }
0xa: {  	[smem:$0x3FAB] =	sst s2  }
0xb: {  	[smem:$0x3FAC] =	sst s3  }
0xc: {  	[smem:$0x3FAD] =	sst s4  }
0xd: {  	[smem:$0x3FAE] =	sst s5  }
0xe: {  	[smem:$0x3FAF] =	sst s6  }
0xf: {  	[smem:$0x3FB0] =	sst s7  }
0x10: {  	[smem:$0x3FB1] =	sst s8  }
0x11: {  	[smem:$0x3FB2] =	sst s9;
	s0 =	simm.s32 @!p0 $0x0  }
0x12: {  	s1 =	sld [smem:$0x3F98];
	s0 =	simm.s32 @p0 $0x1  }
0x13: {  	[smem:$0x3FB3] =	sst s0;
	s0 =	simm.s32 @!p1 $0x0  }
0x14: {  	s2 =	sld [smem:$0x3F97];
	s0 =	simm.s32 @p1 $0x1  }
0x15: {  	[smem:$0x3FB4] =	sst s0;
	s0 =	simm.s32 @!p2 $0x0  }
0x16: {  	s3 =	sld [smem:$0x3FDB];
	s0 =	simm.s32 @p2 $0x1  }
0x17: {  	s4 =	simm.s32 $0x1BF5;
	[smem:$0x3FB6] =	sst s0  }
0x18: {  	s0 =	sld [smem:$0x3F99];
	_ =	swait.ge [sflag:s4], $0x0  }
0x19: {  	s7 =	sld [smem:$0x3F9A]  }
0x1a: {  	s8 =	sadd.s32 $0xFFFFE003, lr  }
0x1b: {  	s9 =	sadd.s32 $0xFFFFFEF7, lr;
	s5 =	simm.s32 $0xFFFFFFFF;
	p2 =	slt.u32 s8, $0xFFFFF086  }
0x1c: {  	p1 =	slt.u32 s9, $0xF7A;
	s5 =	simm.s32 @!p2 $0x0  }
0x1d: {  	s5 =	simm.s32 @p1 $0x1;
	p0 =	seq.s32 s7, s2  }
0x1e: {  	s7 =	smul.u32 @!p0 $0xF7A, s2;
	p2 =	seq.s32 @!p0 s5, $0x0  }
0x1f: {  	s9 =	smul.u32 $0xF7A, s1;
	s8 =	simm.s32 @!p0 $0x1BF5;
	p2 =	por !p2, p0  }
0x20: {  	[sflag:s8] =	ssyncset.s32 @!p0 $0xFFFFF086;
	s6 =	sadd.s32 @!p0 s3, s7;
	s7 =	simm.s32 @!p0 $0x108  }
0x21: {  	s3 =	sadd.s32 s3, s9;
	s6 =	sadd.s32 @!p0 $0x88, s6;
	s7 =	simm.s32 @p2 $0x1082  }
0x22: {  	[simem:s7], [sflag:s8] =	dma.local @!p0 [hbm:s6], $0xF7A  }
0x23: {  	s9 =	sor.u32 $0xD0000000, s2;
	s6 =	simm.s32 $0x108;
	_ =	swait.ge @!p0 [sflag:s8], $0x0  }
0x24: {  	s3 =	sadd.s32 $0x88, s3;
	s6 =	simm.s32 @!p1 $0x1082;
	[sflag:s4] =	ssyncset.s32 $0xFFFFF086  }
0x25: {  	[simem:s6], [sflag:s4] =	dma.local [hbm:s3], $0xF7A  }
0x26: {  	[smem:$0x3F9A] =	sst s1;
	(tag) =	ssettag s2;
	_ =	strace s9  }
0x27: {  	s1 =	sld [smem:$0x3FAA]  }
0x28: {  	s2 =	sld [smem:$0x3FAB]  }
0x29: {  	s4 =	sld [smem:$0x3FAD]  }
0x2a: {  	p0 =	seq.s32 s5, $0x0;
	s5 =	sld [smem:$0x3FAE]  }
0x2b: {  	s6 =	sld [smem:$0x3FAF]  }
0x2c: {  	s7 =	sld [smem:$0x3FB0]  }
0x2d: {  	s3 =	simm.s32 $0x108;
	s8 =	sld [smem:$0x3FB1]  }
0x2e: {  	s3 =	simm.s32 @!p0 $0x1082;
	s9 =	sld [smem:$0x3FB2]  }
0x2f: {  	lr =	sadd.s32 s0, s3;
	s0 =	sld [smem:$0x3FA9]  }
0x30: {  	s3 =	sld [smem:$0x3FAC]  }
0x31: {  	[smem:$0x3FB5] =	sst s10  }
0x32: {  	s10 =	sld [smem:$0x3FB3];
	_ =	sdelay $0x3  }
0x33: {  	p0 =	seq.s32 s10, $0x1;
	s10 =	sld [smem:$0x3FB5];
	_ =	sdelay $0x3  }
0x34: {  	[smem:$0x3FB5] =	sst s10  }
0x35: {  	s10 =	sld [smem:$0x3FB4];
	_ =	sdelay $0x3  }
0x36: {  	p1 =	seq.s32 s10, $0x1;
	s10 =	sld [smem:$0x3FB5];
	_ =	sdelay $0x3  }
0x37: {  	[smem:$0x3FB5] =	sst s10  }
0x38: {  	s10 =	sld [smem:$0x3FB6]  }
0x39: {  	_ = 	snop;
	(pc) =	sbr.ind lr, $3  }
0x3a: {  	_ = 	snop  }
0x3b: {  	_ = 	snop  }
0x3c: {  	p2 =	seq.s32 s10, $0x1;
	s10 =	sld [smem:$0x3FB5]  }
0x3d: {  	_ =	shalt  }
0x3e: {  	_ =	shalt  }
0x3f: {  	_ =	shalt  }
0x40: {  	_ =	shalt  }
0x41: {  	_ =	shalt  }
0x42: {  	_ =	shalt  }
0x43: {  	_ =	shalt  }
0x44: {  	_ =	shalt  }
0x45: {  	_ =	shalt  }
0x46: {  	_ =	shalt  }
0x47: {  	_ =	shalt  }
0x48: {  	_ =	shalt  }
0x49: {  	_ =	shalt  }
0x4a: {  	_ =	shalt  }
0x4b: {  	_ =	shalt  }
0x4c: {  	_ =	shalt  }
0x4d: {  	_ =	shalt  }
0x4e: {  	_ =	shalt  }
0x4f: {  	_ =	shalt  }
0x50: {  	_ =	shalt  }
0x51: {  	_ =	shalt  }
0x52: {  	_ =	shalt  }
0x53: {  	_ =	shalt  }
0x54: {  	_ =	shalt  }
0x55: {  	_ =	shalt  }
0x56: {  	_ =	shalt  }
0x57: {  	_ =	shalt  }
0x58: {  	_ =	shalt  }
0x59: {  	_ =	shalt  }
0x5a: {  	_ =	shalt  }
0x5b: {  	_ =	shalt  }
0x5c: {  	_ =	shalt  }
0x5d: {  	_ =	shalt  }
0x5e: {  	_ =	shalt  }
0x5f: {  	_ =	shalt  }
0x60: {  	_ =	shalt  }
0x61: {  	_ =	shalt  }
0x62: {  	_ =	shalt  }
0x63: {  	_ =	shalt  }
0x64: {  	_ =	shalt  }
0x65: {  	_ =	shalt  }
0x66: {  	_ =	shalt  }
0x67: {  	_ =	shalt  }
0x68: {  	_ =	shalt  }
0x69: {  	_ =	shalt  }
0x6a: {  	_ =	shalt  }
0x6b: {  	_ =	shalt  }
0x6c: {  	_ =	shalt  }
0x6d: {  	_ =	shalt  }
0x6e: {  	_ =	shalt  }
0x6f: {  	_ =	shalt  }
0x70: {  	_ =	shalt  }
0x71: {  	_ =	shalt  }
0x72: {  	_ =	shalt  }
0x73: {  	_ =	shalt  }
0x74: {  	_ =	shalt  }
0x75: {  	_ =	shalt  }
0x76: {  	_ =	shalt  }
0x77: {  	_ =	shalt  }
0x78: {  	_ =	shalt  }
0x79: {  	_ =	shalt  }
0x7a: {  	_ =	shalt  }
0x7b: {  	_ =	shalt  }
0x7c: {  	_ =	shalt  }
0x7d: {  	_ =	shalt  }
0x7e: {  	_ =	shalt  }
0x7f: {  	_ =	shalt  }
0x80: {  	_ =	shalt  }
0x81: {  	_ =	shalt  }
0x82: {  	_ =	shalt  }
0x83: {  	_ =	shalt  }
0x84: {  	_ =	shalt  }
0x85: {  	_ =	shalt  }
0x86: {  	_ =	shalt  }
0x87: {  	_ =	shalt  }
.Lfunc_end0:
.L_simem_size_0:
called_computation_lowered:
.L_overlay_start_0:
0x88: {  	s2 =	sld [smem:$0x3FD9]  }
0x89: {  	s3 =	sld [smem:$0x3FFE];
	_ =	sdelay $0x1  }
0x8a: {  	s1 =	srdreg.scid  }
0x8b: {  	s0 =	sand.u32 $0x1, s1  }
0x8c: {  	s14 =	sshll.u32 s0, $0xA;
	s2 =	sadd.s32 s3, s2  }
0x8d: {  	s2 =	sadd.s32 s2, s14  }
0x8e: {  	[smem:$0x3FC1] =	sst s2  }
0x8f: {  	_ = 	snop  }
0x90: {  	s2 =	sld [smem:$0x3FD0];
	_ =	sdelay $0x2  }
0x91: {  	s15 =	simm.s32 $0xA;
	s4 =	simm.s32 $0x10  }
0x92: {  	[smem:s4], [sflag:s15] =	dma.local [hbm:s2], $0x1  }
0x93: {  	_ =	swait.eq [sflag:s15], $0x1  }
0x94: {  	[sflag:s15] =	ssyncset.done $0x0  }
0x95: {  	[sflag:s15] =	ssyncadd.s32 $0xFFFFFFFF  }
0x96: {  	s16 =	sld [smem:$0x13];
	(tm) =	ssettm $0x1  }
0x97: {  	s17 =	sld [smem:$0x3FFB];
	_ =	sdelay $0x3  }
0x98: {  	_ =	strace s17  }
0x99: {  	s3 =	sld [smem:$0x3FFC];
	_ =	sdelay $0x3  }
0x9a: {  	_ =	strace s3  }
0x9b: {  	s3 =	sld [smem:$0x3FFD];
	_ =	sdelay $0x3  }
0x9c: {  	_ =	strace s3  }
0x9d: {  	_ =	strace $0x8FFFFFFF  }
0x9e: {  	s18 =	sld [smem:$0x3FDB];
	_ =	sdelay $0x1  }
0x9f: {  	s19 =	simm.s32 $_scs_section_size  }
0xa0: {  	s5 =	simm.s32 $_size__tile_overlayer_lowered;
	s6 =	simm.s32 $_tile_overlayer_lowered  }
0xa1: {  	s22 =	simm.s32 $0x1BFF;
	s21 =	sshll.u32 s6, $0x1;
	s3 =	sadd.s32 s19, s18  }
0xa2: {  	s7 =	simm.s32 $0x0;
	s20 =	sshll.u32 s5, $0x1;
	s5 =	sadd.s32 s21, s3  }
0xa3: {  	[timem:s7], [sflag:s22] =	dma.local [hbm:s5], s20  }
0xa4: {  	_ =	swait.ge [sflag:s22], s20  }
0xa5: {  	s4 =	ssub.s32 $0x0, s20;
	[sflag:s22] =	ssyncset.done $0x0  }
0xa6: {  	[sflag:s22] =	ssyncadd.s32 s4;
	_ =	sdelay $0x1  }
0xa7: {  	s23 =	simm.s32 $0x1B8B  }
0xa8: {  	_ =	swait.ge [sflag:s23], $0x1  }
0xa9: {  	[sflag:s23] =	ssyncset.done $0x0  }
0xaa: {  	s25 =	simm.s32 $0x1B8E;
	s24 =	sld [smem:$0x3FFE];
	[sflag:s23] =	ssyncadd.s32 $0xFFFFFFFF  }
0xab: {  	s26 =	simm.s32 $execute0_lowered;
	[smem:$0x3FD2] =	sst s25  }
0xac: {  	s5 =	sshll.u32 s26, $0x1;
	_ =	strace $0x80000046;
	[dreg:$0x1] =	wrdreg $0xFFFFFFFF  }
0xad: {  	s28 =	simm.s32 $_size_execute0_lowered;
	s3 =	sadd.s32 s3, s5;
	[dreg:$0x0] =	wrdreg $0x0  }
0xae: {  	s5 =	sshll.u32 s28, $0x1;
	[dreg:$0x2] =	wrdreg s3  }
0xaf: {  	[dreg:$0x3] =	wrdreg s5  }
0xb0: {  	[dreg:$0x4] =	wrdreg $0xC0  }
0xb1: {  	_ =	task [dreg:s7], $0x5FFFF  }
0xb2: {  	[dreg:$0x1] =	wrdreg $0xFFFFFFFF  }
0xb3: {  	[dreg:$0x0] =	wrdreg $0x60  }
0xb4: {  	[dreg:$0x2] =	wrdreg s24  }
0xb5: {  	[dreg:$0x3] =	wrdreg s16  }
0xb6: {  	[dreg:$0x4] =	wrdreg $0x9  }
0xb7: {  	_ =	task.clear_ibuf [dreg:s7], $0x5FFFF;
	_ =	strace $0x90000046  }
0xb8: {  	s29 =	simm.s32 $0x9;
	_ =	strace $0x80000048  }
0xb9: {  	_ =	swait.ge [sflag:s29], $0x1  }
0xba: {  	[sflag:s29] =	ssyncadd.s32 $0xFFFFFFFF  }
0xbb: {  	_ =	strace $0x90000048  }
0xbc: {  	_ =	sfence  }
0xbd: {  	s30 =	sld [smem:$0x0];
	_ =	sdelay $0x2  }
0xbe: {  	s31 =	sshll.u32 s1, $0xD;
	s1 =	sshrl.u32 s1, $0x2  }
0xbf: {  	s3 =	sand.u32 $0x4000, s31;
	s1 =	sadd.s32 s1, s30  }
0xc0: {  	s0 =	sor.u32 s3, s0;
	s1 =	sshll.u32 s1, $0x11  }
0xc1: {  	s0 =	sor.u32 s1, s0  }
0xc2: {  	s0 =	sadd.s32 $0x8F2B, s0  }
0xc3: {  	[sflag:s0] =	ssyncadd.remote.s32 $0x1  }
0xc4: {  	_ =	sfence.sel $0xFFFF  }
0xc5: {  	[dreg:$0x0] =	wrdreg $0xFFFFFFFF;
	(pc) =	sbr.abs _section_cstart, $3  }
0xc6: {  	[dreg:$0x1] =	wrdreg $0xFFFFFFFF  }
0xc7: {  	_ =	task.clear_ibuf [dreg:s7], $0x2FFFF;
	_ =	strace $0x9FFFFFFF  }
0xc8: {  	(tm) =	ssettm $0x7FFFFFFF  }
0xc9: {  	_ =	shalt  }
tec
execute0_lowered:
.L_overlay_start_1:
0x0: {  	(tag) =	ssettag $0x1  }
0x1: {  	s1 =	stileid.u32  }
0x2: {  	p0 =	sgt.u32 s1, $0xB  }
.Ltmp0:
0x3: {  	_ = 	snop;
	(pc) =	sbr.rel @p0 .LBB2_3-.Ltmp0, $4  }
0x4: {  	_ = 	snop  }
0x5: {  	s5 =	rddreg [dreg:$0x0];
	s2 =	simm.s32 $0x0  }
0x6: {  	[smem:$0x7FF] =	sst s2  }
0x7: {  	s0 =	rddreg [dreg:$0x1];
	_ =	strace $0x80000047  }
0x8: {  	s1 =	sadd.s32 $0x641C00, s5  }
0x9: {  	s11 =	sadd.s32 $0x641D00, s5;
	[dreg:$0x6] =	wrdreg s1  }
0xa: {  	s12 =	sadd.s32 $0x641E00, s5;
	[dreg:$0x7] =	wrdreg s11  }
0xb: {  	s13 =	sadd.s32 $0x641F00, s5;
	[dreg:$0x8] =	wrdreg s12  }
0xc: {  	s14 =	sadd.s32 $0x642100, s5;
	[dreg:$0x9] =	wrdreg s13  }
0xd: {  	s4 =	sadd.s32 $0x642200, s5;
	[dreg:$0xa] =	wrdreg s14  }
0xe: {  	s16 =	sadd.s32 $0x642300, s5;
	[dreg:$0xb] =	wrdreg s4  }
0xf: {  	s17 =	sadd.s32 $0x642400, s5;
	[dreg:$0xc] =	wrdreg s16  }
0x10: {  	s18 =	sadd.s32 $0x642500, s5;
	[dreg:$0xd] =	wrdreg s17  }
0x11: {  	s6 =	sadd.s32 $0x642600, s5;
	[dreg:$0xe] =	wrdreg s18  }
0x12: {  	s20 =	sadd.s32 $0x642700, s5;
	[dreg:$0xf] =	wrdreg s6  }
0x13: {  	s21 =	sadd.s32 $0x642800, s5;
	[dreg:$0x10] =	wrdreg s20  }
0x14: {  	s22 =	sadd.s32 $0x642900, s5;
	[dreg:$0x11] =	wrdreg s21  }
0x15: {  	s7 =	sadd.s32 $0x642A00, s5;
	[dreg:$0x12] =	wrdreg s22  }
0x16: {  	s24 =	sadd.s32 $0x642B00, s5;
	[dreg:$0x14] =	wrdreg s7  }
0x17: {  	s25 =	sadd.s32 $0x642C00, s5;
	[dreg:$0x15] =	wrdreg s24  }
0x18: {  	s26 =	sadd.s32 $0x642D00, s5;
	[dreg:$0x16] =	wrdreg s25  }
0x19: {  	s28 =	sadd.s32 $0x642E00, s5;
	[dreg:$0x17] =	wrdreg s26  }
0x1a: {  	s29 =	sadd.s32 $0x642F00, s5;
	[dreg:$0x19] =	wrdreg s28  }
0x1b: {  	s30 =	sadd.s32 $0x642000, s5;
	[dreg:$0x1a] =	wrdreg s29  }
0x1c: {  	s31 =	sadd.s32 $0x643000, s5;
	[dreg:$0x1b] =	wrdreg s30  }
0x1d: {  	s8 =	sadd.s32 $0x643100, s5;
	[dreg:$0x1c] =	wrdreg s31  }
0x1e: {  	s9 =	sadd.s32 $0x643200, s5;
	[dreg:$0x1d] =	wrdreg s8  }
0x1f: {  	s10 =	sadd.s32 $0x643300, s5;
	[dreg:$0x1e] =	wrdreg s9  }
0x20: {  	s3 =	sadd.s32 $0xC5C600, s5;
	[dreg:$0x1f] =	wrdreg s10  }
0x21: {  	s11 =	sadd.s32 $0x643400, s5;
	[dreg:$0x3] =	wrdreg s3  }
0x22: {  	s12 =	sadd.s32 $0x643500, s5;
	[smem:$0x7D7] =	sst s11  }
0x23: {  	s13 =	sadd.s32 $0x643600, s5;
	[smem:$0x7D8] =	sst s12  }
0x24: {  	s15 =	srdreg.scid;
	s14 =	sadd.s32 $0x643700, s5;
	[smem:$0x7D9] =	sst s13  }
0x25: {  	s1 =	sand.u32 $0x1, s15;
	s15 =	sadd.s32 $0x643800, s5;
	[smem:$0x7DA] =	sst s14  }
0x26: {  	s16 =	sadd.s32 $0x643900, s5;
	[smem:$0x7DB] =	sst s15  }
0x27: {  	s17 =	sadd.s32 $0x643A00, s5;
	[smem:$0x7DC] =	sst s16  }
0x28: {  	s19 =	stileid.u32;
	s18 =	sadd.s32 $0x643B00, s5;
	[smem:$0x7DD] =	sst s17  }
0x29: {  	s4 =	sshll.u32 s19, $0x1;
	s19 =	sadd.s32 $0x643C00, s5;
	[smem:$0x7DE] =	sst s18  }
0x2a: {  	s20 =	sadd.s32 $0x643D00, s5;
	[smem:$0x7DF] =	sst s19  }
0x2b: {  	s21 =	sadd.s32 $0x643E00, s5;
	[smem:$0x7E0] =	sst s20  }
0x2c: {  	s22 =	sadd.s32 $0x643F00, s5;
	[smem:$0x7E1] =	sst s21  }
0x2d: {  	s24 =	sadd.s32 $0x644200, s5;
	[smem:$0x7E2] =	sst s22  }
0x2e: {  	s25 =	sadd.s32 $0x644300, s5;
	[smem:$0x7E4] =	sst s24  }
0x2f: {  	s26 =	sadd.s32 $0x644400, s5;
	[smem:$0x7E5] =	sst s25  }
0x30: {  	s28 =	sadd.s32 $0x644500, s5;
	[smem:$0x7E6] =	sst s26  }
0x31: {  	s29 =	sadd.s32 $0x644600, s5;
	[smem:$0x7E7] =	sst s28  }
0x32: {  	s30 =	sadd.s32 $0x644700, s5;
	[smem:$0x7E8] =	sst s29  }
0x33: {  	s31 =	sadd.s32 $0x644800, s5;
	[smem:$0x7E9] =	sst s30  }
0x34: {  	s8 =	sadd.s32 $0x644900, s5;
	[smem:$0x7EA] =	sst s31  }
0x35: {  	s9 =	sadd.s32 $0x644A00, s5;
	[smem:$0x7EB] =	sst s8  }
0x36: {  	[smem:$0x7EC] =	sst s9;
	s11 =	sadd.s32 $0x644B00, s5  }
0x37: {  	s12 =	sadd.s32 $0x644C00, s5;
	[smem:$0x7ED] =	sst s11  }
0x38: {  	s13 =	sadd.s32 $0x644D00, s5;
	[smem:$0x7EE] =	sst s12  }
0x39: {  	s14 =	sadd.s32 $0x644E00, s5;
	[smem:$0x7EF] =	sst s13  }
0x3a: {  	s15 =	sadd.s32 $0x644000, s5;
	[smem:$0x7F0] =	sst s14  }
0x3b: {  	s16 =	sadd.s32 $0x644F00, s5;
	[smem:$0x7F1] =	sst s15  }
0x3c: {  	s17 =	sadd.s32 $0x645000, s5;
	[smem:$0x7F2] =	sst s16  }
0x3d: {  	s19 =	sadd.s32 $0x645100, s5;
	[smem:$0x7F3] =	sst s17  }
0x3e: {  	s20 =	sadd.s32 $0x645200, s5;
	[smem:$0x7F4] =	sst s19  }
0x3f: {  	s21 =	sadd.s32 $0x645300, s5;
	[smem:$0x7F5] =	sst s20  }
0x40: {  	s22 =	sadd.s32 $0x645400, s5;
	[smem:$0x7F6] =	sst s21  }
0x41: {  	s24 =	sadd.s32 $0x645500, s5;
	[smem:$0x7F7] =	sst s22  }
0x42: {  	s25 =	sadd.s32 $0x645600, s5;
	[smem:$0x7F8] =	sst s24  }
0x43: {  	s26 =	sadd.s32 $0x645700, s5;
	[smem:$0x7F9] =	sst s25  }
0x44: {  	s28 =	sadd.s32 $0x645800, s5;
	[smem:$0x7FA] =	sst s26  }
0x45: {  	s4 =	sor.u32 s1, s4;
	s30 =	sadd.s32 $0x645900, s5;
	[smem:$0x7FB] =	sst s28  }
0x46: {  	s31 =	sadd.s32 $0x645A00, s5;
	s23 =	sshll.u32 s4, $0x4;
	[smem:$0x7FC] =	sst s30  }
0x47: {  	s4 =	smul.u32 $0x7D00, s4;
	[dreg:$0x13] =	wrdreg s23;
	s6 =	sor.u32 $0x8, s23  }
0x48: {  	s23 =	sadd.s32 $0x644100, s5;
	[dreg:$0x18] =	wrdreg s6;
	s6 =	sshrl.u32 s6, $0x3  }
0x49: {  	[smem:$0x7E3] =	sst s23;
	s23 =	ssub.s32 $0x2, s1;
	s6 =	smul.u32 $0x3E80, s6  }
0x4a: {  	v0 =	vlaneseq.u32;
	[smem:$0x7FD] =	sst s31;
	s10 =	sadd.s32 s0, s4;
	s29 =	sshrl.u32 s23, $0x1  }
0x4b: {  	vm0 =	vmmov $0xff;
	v1 =	vshrl.u32 v0, $0x3;
	[dreg:$0x4] =	wrdreg s10;
	s18 =	sadd.s32 s0, s6;
	s6 =	ssub.s32 s23, s29  }
0x4c: {  	vm1 =	vmmov $0xffff;
	v0 =	vand.u32 $0x7, v0;
	v1 =	vmul.u32 $0x8, v1;
	[dreg:$0x5] =	wrdreg s18;
	s0 =	smax.u32 s6, $0x1  }
.LBB2_2:
0x4d: {  	[smem:$0x7D6] =	sst s0  }
0x4e: {  	s10 =	rddreg [dreg:$0x3];
	s11 =	simm.s32 $0x2  }
0x4f: {  	[tilespmem:s2], [sflag:$0x2] =	stream.linear.gather [hbm4b:s10+s2], $0x180, $0x38;
	[tilespmem:$0x1F580] =	vst v63  }
0x50: {  	_ =	swait.ge [sflag:s11], $0x180  }
0x51: {  	[sflag:s11] =	ssyncset.done $0x0  }
0x52: {  	s12 =	rddreg [dreg:$0x13];
	[sflag:s11] =	ssyncadd.s32 $0xFFFFFE80  }
0x53: {  	v2 =	vld.msk [tilespmem:s12+$0x0], $0xff;
	_ =	sdelay $0x4  }
0x54: {  	v3 =	vshrl.u32 v2, $0x3  }
0x55: {  	v3 =	vmul.u32 $0x3E8, v3  }
0x56: {  	v2 =	vand.u32 $0x7, v2  }
0x57: {  	v2 =	vor.u32 v2, v3  }
0x58: {  	v2 =	vperm.xlane v2, v0;
	_ =	sdelay $0x1  }
0x59: {  	v2 =	vadd.s32 v1, v2;
	_ =	sdelay $0x2  }
0x5a: {  	s17 =	rddreg [dreg:$0x1b]  }
0x5b: {  	s13 =	simm.s32 $0x180;
	s11 =	rddreg [dreg:$0x6]  }
0x5c: {  	[tilespmem:s13], [sflag:$0x1] =	stream.indirect_vreg.gather [hbm4b:s11+s2], $0x80, v2, vm1, $0xb8;
	[tilespmem:$0x1F580] =	vst v63  }
0x5d: {  	s14 =	simm.s32 $0x980;
	s12 =	rddreg [dreg:$0x7]  }
0x5e: {  	[tilespmem:s14], [sflag:$0x1] =	stream.indirect_vreg.gather [hbm4b:s12+s2], $0x80, v2, vm1, $0xb8;
	[tilespmem:$0x1F580] =	vst v63  }
0x5f: {  	s15 =	simm.s32 $0x1180;
	s13 =	rddreg [dreg:$0x8]  }
0x60: {  	[tilespmem:s15], [sflag:$0x1] =	stream.indirect_vreg.gather [hbm4b:s13+s2], $0x80, v2, vm1, $0xb8;
	[tilespmem:$0x1F580] =	vst v63  }
0x61: {  	s16 =	simm.s32 $0x1980;
	s14 =	rddreg [dreg:$0x9]  }
0x62: {  	[tilespmem:s16], [sflag:$0x1] =	stream.indirect_vreg.gather [hbm4b:s14+s2], $0x80, v2, vm1, $0xb8;
	[tilespmem:$0x1F580] =	vst v63  }
0x63: {  	s1 =	simm.s32 $0x2180;
	s3 =	rddreg [dreg:$0x1a]  }
0x64: {  	[tilespmem:s1], [sflag:$0x1] =	stream.indirect_vreg.gather [hbm4b:s17+s2], $0x80, v2, vm1, $0xb8;
	[tilespmem:$0x1F580] =	vst v63  }
0x65: {  	s18 =	simm.s32 $0x2980;
	s15 =	rddreg [dreg:$0xa]  }
0x66: {  	[tilespmem:s18], [sflag:$0x1] =	stream.indirect_vreg.gather [hbm4b:s15+s2], $0x80, v2, vm1, $0xb8;
	[tilespmem:$0x1F580] =	vst v63  }
0x67: {  	s19 =	simm.s32 $0x3180;
	s17 =	rddreg [dreg:$0xb]  }
0x68: {  	[tilespmem:s19], [sflag:$0x1] =	stream.indirect_vreg.gather [hbm4b:s17+s2], $0x80, v2, vm1, $0xb8;
	[tilespmem:$0x1F580] =	vst v63  }
0x69: {  	s20 =	simm.s32 $0x3980;
	s18 =	rddreg [dreg:$0xc]  }
0x6a: {  	[tilespmem:s20], [sflag:$0x1] =	stream.indirect_vreg.gather [hbm4b:s18+s2], $0x80, v2, vm1, $0xb8;
	[tilespmem:$0x1F580] =	vst v63  }
0x6b: {  	s21 =	simm.s32 $0x4180;
	s19 =	rddreg [dreg:$0xd]  }
0x6c: {  	[tilespmem:s21], [sflag:$0x1] =	stream.indirect_vreg.gather [hbm4b:s19+s2], $0x80, v2, vm1, $0xb8;
	[tilespmem:$0x1F580] =	vst v63  }
0x6d: {  	s22 =	simm.s32 $0x4980;
	s20 =	rddreg [dreg:$0xe]  }
0x6e: {  	[tilespmem:s22], [sflag:$0x1] =	stream.indirect_vreg.gather [hbm4b:s20+s2], $0x80, v2, vm1, $0xb8;
	[tilespmem:$0x1F580] =	vst v63  }
0x6f: {  	s23 =	simm.s32 $0x5180;
	s22 =	rddreg [dreg:$0xf]  }
0x70: {  	[tilespmem:s23], [sflag:$0x1] =	stream.indirect_vreg.gather [hbm4b:s22+s2], $0x80, v2, vm1, $0xb8;
	[tilespmem:$0x1F580] =	vst v63  }
0x71: {  	s24 =	simm.s32 $0x5980;
	s23 =	rddreg [dreg:$0x10]  }
0x72: {  	[tilespmem:s24], [sflag:$0x1] =	stream.indirect_vreg.gather [hbm4b:s23+s2], $0x80, v2, vm1, $0xb8;
	[tilespmem:$0x1F580] =	vst v63  }
0x73: {  	s25 =	simm.s32 $0x6180;
	s24 =	rddreg [dreg:$0x11]  }
0x74: {  	[tilespmem:s25], [sflag:$0x1] =	stream.indirect_vreg.gather [hbm4b:s24+s2], $0x80, v2, vm1, $0xb8;
	[tilespmem:$0x1F580] =	vst v63  }
0x75: {  	s26 =	simm.s32 $0x6980;
	s25 =	rddreg [dreg:$0x12]  }
0x76: {  	[tilespmem:s26], [sflag:$0x1] =	stream.indirect_vreg.gather [hbm4b:s25+s2], $0x80, v2, vm1, $0xb8;
	[tilespmem:$0x1F580] =	vst v63  }
0x77: {  	s28 =	simm.s32 $0x7180;
	s26 =	rddreg [dreg:$0x14]  }
0x78: {  	[tilespmem:s28], [sflag:$0x1] =	stream.indirect_vreg.gather [hbm4b:s26+s2], $0x80, v2, vm1, $0xb8;
	[tilespmem:$0x1F580] =	vst v63  }
0x79: {  	s29 =	simm.s32 $0x7980;
	s28 =	rddreg [dreg:$0x15]  }
0x7a: {  	[tilespmem:s29], [sflag:$0x1] =	stream.indirect_vreg.gather [hbm4b:s28+s2], $0x80, v2, vm1, $0xb8;
	[tilespmem:$0x1F580] =	vst v63  }
0x7b: {  	s30 =	simm.s32 $0x8180;
	s29 =	rddreg [dreg:$0x16]  }
0x7c: {  	[tilespmem:s30], [sflag:$0x1] =	stream.indirect_vreg.gather [hbm4b:s29+s2], $0x80, v2, vm1, $0xb8;
	[tilespmem:$0x1F580] =	vst v63  }
0x7d: {  	s31 =	simm.s32 $0x8980;
	s30 =	rddreg [dreg:$0x17]  }
0x7e: {  	[tilespmem:s31], [sflag:$0x1] =	stream.indirect_vreg.gather [hbm4b:s30+s2], $0x80, v2, vm1, $0xb8;
	[tilespmem:$0x1F580] =	vst v63  }
0x7f: {  	s1 =	simm.s32 $0x9180;
	s31 =	rddreg [dreg:$0x19]  }
0x80: {  	[tilespmem:s1], [sflag:$0x1] =	stream.indirect_vreg.gather [hbm4b:s31+s2], $0x80, v2, vm1, $0xb8;
	[tilespmem:$0x1F580] =	vst v63  }
0x81: {  	s4 =	simm.s32 $0x9980;
	s16 =	rddreg [dreg:$0x1c]  }
0x82: {  	[tilespmem:s4], [sflag:$0x1] =	stream.indirect_vreg.gather [hbm4b:s3+s2], $0x80, v2, vm1, $0xb8;
	[tilespmem:$0x1F580] =	vst v63  }
0x83: {  	s5 =	simm.s32 $0xA180;
	s21 =	rddreg [dreg:$0x1d]  }
0x84: {  	[tilespmem:s5], [sflag:$0x1] =	stream.indirect_vreg.gather [hbm4b:s16+s2], $0x80, v2, vm1, $0xb8;
	[tilespmem:$0x1F580] =	vst v63  }
0x85: {  	s6 =	simm.s32 $0xA980;
	s3 =	rddreg [dreg:$0x1e]  }
0x86: {  	[tilespmem:s6], [sflag:$0x1] =	stream.indirect_vreg.gather [hbm4b:s21+s2], $0x80, v2, vm1, $0xb8;
	[tilespmem:$0x1F580] =	vst v63  }
0x87: {  	s7 =	simm.s32 $0xB180;
	s4 =	rddreg [dreg:$0x1f]  }
0x88: {  	[tilespmem:s7], [sflag:$0x1] =	stream.indirect_vreg.gather [hbm4b:s3+s2], $0x80, v2, vm1, $0xb8;
	[tilespmem:$0x1F580] =	vst v63  }
0x89: {  	s8 =	simm.s32 $0xB980;
	s5 =	sld [smem:$0x7D7]  }
0x8a: {  	[tilespmem:s8], [sflag:$0x1] =	stream.indirect_vreg.gather [hbm4b:s4+s2], $0x80, v2, vm1, $0xb8;
	[tilespmem:$0x1F580] =	vst v63  }
0x8b: {  	s9 =	simm.s32 $0xC180;
	s8 =	sld [smem:$0x7D8]  }
0x8c: {  	[tilespmem:s9], [sflag:$0x1] =	stream.indirect_vreg.gather [hbm4b:s5+s2], $0x80, v2, vm1, $0xb8;
	[tilespmem:$0x1F580] =	vst v63  }
0x8d: {  	s10 =	simm.s32 $0xC980;
	s9 =	sld [smem:$0x7D9]  }
0x8e: {  	[tilespmem:s10], [sflag:$0x1] =	stream.indirect_vreg.gather [hbm4b:s8+s2], $0x80, v2, vm1, $0xb8;
	[tilespmem:$0x1F580] =	vst v63  }
0x8f: {  	s1 =	simm.s32 $0xD180;
	s7 =	sld [smem:$0x7DA]  }
0x90: {  	[tilespmem:s1], [sflag:$0x1] =	stream.indirect_vreg.gather [hbm4b:s9+s2], $0x80, v2, vm1, $0xb8;
	[tilespmem:$0x1F580] =	vst v63  }
0x91: {  	s6 =	simm.s32 $0xD980  }
0x92: {  	[tilespmem:s6], [sflag:$0x1] =	stream.indirect_vreg.gather [hbm4b:s7+s2], $0x80, v2, vm1, $0xb8;
	[tilespmem:$0x1F580] =	vst v63  }
0x93: {  	s6 =	sld [smem:$0x7DB];
	_ =	sdelay $0x1  }
0x94: {  	s0 =	sld [smem:$0x7DC];
	s10 =	simm.s32 $0xE180  }
0x95: {  	[tilespmem:s10], [sflag:$0x1] =	stream.indirect_vreg.gather [hbm4b:s6+s2], $0x80, v2, vm1, $0xb8;
	[tilespmem:$0x1F580] =	vst v63  }
0x96: {  	s10 =	simm.s32 $0xE980  }
0x97: {  	[tilespmem:s10], [sflag:$0x1] =	stream.indirect_vreg.gather [hbm4b:s0+s2], $0x80, v2, vm1, $0xb8;
	[tilespmem:$0x1F580] =	vst v63  }
0x98: {  	s0 =	sld [smem:$0x7DD];
	_ =	sdelay $0x1  }
0x99: {  	s10 =	simm.s32 $0xF180  }
0x9a: {  	[tilespmem:s10], [sflag:$0x1] =	stream.indirect_vreg.gather [hbm4b:s0+s2], $0x80, v2, vm1, $0xb8;
	[tilespmem:$0x1F580] =	vst v63  }
0x9b: {  	s0 =	sld [smem:$0x7DE];
	_ =	sdelay $0x1  }
0x9c: {  	s10 =	simm.s32 $0xF980  }
0x9d: {  	[tilespmem:s10], [sflag:$0x1] =	stream.indirect_vreg.gather [hbm4b:s0+s2], $0x80, v2, vm1, $0xb8;
	[tilespmem:$0x1F580] =	vst v63  }
0x9e: {  	s0 =	sld [smem:$0x7DF];
	_ =	sdelay $0x1  }
0x9f: {  	s10 =	simm.s32 $0x10180  }
0xa0: {  	[tilespmem:s10], [sflag:$0x1] =	stream.indirect_vreg.gather [hbm4b:s0+s2], $0x80, v2, vm1, $0xb8;
	[tilespmem:$0x1F580] =	vst v63  }
0xa1: {  	s0 =	sld [smem:$0x7E0];
	_ =	sdelay $0x1  }
0xa2: {  	s10 =	simm.s32 $0x10980  }
0xa3: {  	[tilespmem:s10], [sflag:$0x1] =	stream.indirect_vreg.gather [hbm4b:s0+s2], $0x80, v2, vm1, $0xb8;
	[tilespmem:$0x1F580] =	vst v63  }
0xa4: {  	s0 =	sld [smem:$0x7E1];
	_ =	sdelay $0x1  }
0xa5: {  	s10 =	simm.s32 $0x11180  }
0xa6: {  	[tilespmem:s10], [sflag:$0x1] =	stream.indirect_vreg.gather [hbm4b:s0+s2], $0x80, v2, vm1, $0xb8;
	[tilespmem:$0x1F580] =	vst v63  }
0xa7: {  	s0 =	sld [smem:$0x7E2];
	_ =	sdelay $0x1  }
0xa8: {  	s10 =	simm.s32 $0x11980  }
0xa9: {  	[tilespmem:s10], [sflag:$0x1] =	stream.indirect_vreg.gather [hbm4b:s0+s2], $0x80, v2, vm1, $0xb8;
	[tilespmem:$0x1F580] =	vst v63  }
0xaa: {  	s0 =	sld [smem:$0x7F1];
	_ =	sdelay $0x1  }
0xab: {  	s10 =	simm.s32 $0x12180  }
0xac: {  	[tilespmem:s10], [sflag:$0x1] =	stream.indirect_vreg.gather [hbm4b:s0+s2], $0x80, v2, vm1, $0xb8;
	[tilespmem:$0x1F580] =	vst v63  }
0xad: {  	s0 =	sld [smem:$0x7E3];
	_ =	sdelay $0x1  }
0xae: {  	s10 =	simm.s32 $0x12980  }
0xaf: {  	[tilespmem:s10], [sflag:$0x1] =	stream.indirect_vreg.gather [hbm4b:s0+s2], $0x80, v2, vm1, $0xb8;
	[tilespmem:$0x1F580] =	vst v63  }
0xb0: {  	s0 =	sld [smem:$0x7E4];
	_ =	sdelay $0x1  }
0xb1: {  	s10 =	simm.s32 $0x13180  }
0xb2: {  	[tilespmem:s10], [sflag:$0x1] =	stream.indirect_vreg.gather [hbm4b:s0+s2], $0x80, v2, vm1, $0xb8;
	[tilespmem:$0x1F580] =	vst v63  }
0xb3: {  	s0 =	sld [smem:$0x7E5];
	_ =	sdelay $0x1  }
0xb4: {  	s10 =	simm.s32 $0x13980  }
0xb5: {  	[tilespmem:s10], [sflag:$0x1] =	stream.indirect_vreg.gather [hbm4b:s0+s2], $0x80, v2, vm1, $0xb8;
	[tilespmem:$0x1F580] =	vst v63  }
0xb6: {  	s0 =	sld [smem:$0x7E6];
	_ =	sdelay $0x1  }
0xb7: {  	s10 =	simm.s32 $0x14180  }
0xb8: {  	[tilespmem:s10], [sflag:$0x1] =	stream.indirect_vreg.gather [hbm4b:s0+s2], $0x80, v2, vm1, $0xb8;
	[tilespmem:$0x1F580] =	vst v63  }
0xb9: {  	s0 =	sld [smem:$0x7E7];
	_ =	sdelay $0x1  }
0xba: {  	s10 =	simm.s32 $0x14980  }
0xbb: {  	[tilespmem:s10], [sflag:$0x1] =	stream.indirect_vreg.gather [hbm4b:s0+s2], $0x80, v2, vm1, $0xb8;
	[tilespmem:$0x1F580] =	vst v63  }
0xbc: {  	s0 =	sld [smem:$0x7E8];
	_ =	sdelay $0x1  }
0xbd: {  	s10 =	simm.s32 $0x15180  }
0xbe: {  	[tilespmem:s10], [sflag:$0x1] =	stream.indirect_vreg.gather [hbm4b:s0+s2], $0x80, v2, vm1, $0xb8;
	[tilespmem:$0x1F580] =	vst v63  }
0xbf: {  	s0 =	sld [smem:$0x7E9];
	_ =	sdelay $0x1  }
0xc0: {  	s10 =	simm.s32 $0x15980  }
0xc1: {  	[tilespmem:s10], [sflag:$0x1] =	stream.indirect_vreg.gather [hbm4b:s0+s2], $0x80, v2, vm1, $0xb8;
	[tilespmem:$0x1F580] =	vst v63  }
0xc2: {  	s0 =	sld [smem:$0x7EA];
	_ =	sdelay $0x1  }
0xc3: {  	s10 =	simm.s32 $0x16180  }
0xc4: {  	[tilespmem:s10], [sflag:$0x1] =	stream.indirect_vreg.gather [hbm4b:s0+s2], $0x80, v2, vm1, $0xb8;
	[tilespmem:$0x1F580] =	vst v63  }
0xc5: {  	s0 =	sld [smem:$0x7EB];
	_ =	sdelay $0x1  }
0xc6: {  	s10 =	simm.s32 $0x16980  }
0xc7: {  	[tilespmem:s10], [sflag:$0x1] =	stream.indirect_vreg.gather [hbm4b:s0+s2], $0x80, v2, vm1, $0xb8;
	[tilespmem:$0x1F580] =	vst v63  }
0xc8: {  	s0 =	sld [smem:$0x7EC];
	_ =	sdelay $0x1  }
0xc9: {  	s10 =	simm.s32 $0x17180  }
0xca: {  	[tilespmem:s10], [sflag:$0x1] =	stream.indirect_vreg.gather [hbm4b:s0+s2], $0x80, v2, vm1, $0xb8;
	[tilespmem:$0x1F580] =	vst v63  }
0xcb: {  	s0 =	sld [smem:$0x7ED];
	_ =	sdelay $0x1  }
0xcc: {  	s10 =	simm.s32 $0x17980  }
0xcd: {  	[tilespmem:s10], [sflag:$0x1] =	stream.indirect_vreg.gather [hbm4b:s0+s2], $0x80, v2, vm1, $0xb8;
	[tilespmem:$0x1F580] =	vst v63  }
0xce: {  	s0 =	sld [smem:$0x7EE];
	_ =	sdelay $0x1  }
0xcf: {  	s10 =	simm.s32 $0x18180  }
0xd0: {  	[tilespmem:s10], [sflag:$0x1] =	stream.indirect_vreg.gather [hbm4b:s0+s2], $0x80, v2, vm1, $0xb8;
	[tilespmem:$0x1F580] =	vst v63  }
0xd1: {  	s0 =	sld [smem:$0x7EF];
	_ =	sdelay $0x1  }
0xd2: {  	s10 =	simm.s32 $0x18980  }
0xd3: {  	[tilespmem:s10], [sflag:$0x1] =	stream.indirect_vreg.gather [hbm4b:s0+s2], $0x80, v2, vm1, $0xb8;
	[tilespmem:$0x1F580] =	vst v63  }
0xd4: {  	s0 =	sld [smem:$0x7F0];
	_ =	sdelay $0x1  }
0xd5: {  	s10 =	simm.s32 $0x19180  }
0xd6: {  	[tilespmem:s10], [sflag:$0x1] =	stream.indirect_vreg.gather [hbm4b:s0+s2], $0x80, v2, vm1, $0xb8;
	[tilespmem:$0x1F580] =	vst v63  }
0xd7: {  	s0 =	sld [smem:$0x7F2];
	_ =	sdelay $0x1  }
0xd8: {  	s10 =	simm.s32 $0x19980  }
0xd9: {  	[tilespmem:s10], [sflag:$0x1] =	stream.indirect_vreg.gather [hbm4b:s0+s2], $0x80, v2, vm1, $0xb8;
	[tilespmem:$0x1F580] =	vst v63  }
0xda: {  	s0 =	sld [smem:$0x7F3];
	_ =	sdelay $0x1  }
0xdb: {  	s10 =	simm.s32 $0x1A180  }
0xdc: {  	[tilespmem:s10], [sflag:$0x1] =	stream.indirect_vreg.gather [hbm4b:s0+s2], $0x80, v2, vm1, $0xb8;
	[tilespmem:$0x1F580] =	vst v63  }
0xdd: {  	s0 =	sld [smem:$0x7F4];
	_ =	sdelay $0x1  }
0xde: {  	s10 =	simm.s32 $0x1A980  }
0xdf: {  	[tilespmem:s10], [sflag:$0x1] =	stream.indirect_vreg.gather [hbm4b:s0+s2], $0x80, v2, vm1, $0xb8;
	[tilespmem:$0x1F580] =	vst v63  }
0xe0: {  	s0 =	sld [smem:$0x7F5];
	_ =	sdelay $0x1  }
0xe1: {  	s10 =	simm.s32 $0x1B180  }
0xe2: {  	[tilespmem:s10], [sflag:$0x1] =	stream.indirect_vreg.gather [hbm4b:s0+s2], $0x80, v2, vm1, $0xb8;
	[tilespmem:$0x1F580] =	vst v63  }
0xe3: {  	s0 =	sld [smem:$0x7F6];
	_ =	sdelay $0x1  }
0xe4: {  	s10 =	simm.s32 $0x1B980  }
0xe5: {  	[tilespmem:s10], [sflag:$0x1] =	stream.indirect_vreg.gather [hbm4b:s0+s2], $0x80, v2, vm1, $0xb8;
	[tilespmem:$0x1F580] =	vst v63  }
0xe6: {  	s0 =	sld [smem:$0x7F7];
	_ =	sdelay $0x1  }
0xe7: {  	s10 =	simm.s32 $0x1C180  }
0xe8: {  	[tilespmem:s10], [sflag:$0x1] =	stream.indirect_vreg.gather [hbm4b:s0+s2], $0x80, v2, vm1, $0xb8;
	[tilespmem:$0x1F580] =	vst v63  }
0xe9: {  	s0 =	sld [smem:$0x7F8];
	_ =	sdelay $0x1  }
0xea: {  	s10 =	simm.s32 $0x1C980  }
0xeb: {  	[tilespmem:s10], [sflag:$0x1] =	stream.indirect_vreg.gather [hbm4b:s0+s2], $0x80, v2, vm1, $0xb8;
	[tilespmem:$0x1F580] =	vst v63  }
0xec: {  	s0 =	sld [smem:$0x7F9];
	_ =	sdelay $0x1  }
0xed: {  	s10 =	simm.s32 $0x1D180  }
0xee: {  	[tilespmem:s10], [sflag:$0x1] =	stream.indirect_vreg.gather [hbm4b:s0+s2], $0x80, v2, vm1, $0xb8;
	[tilespmem:$0x1F580] =	vst v63  }
0xef: {  	s0 =	sld [smem:$0x7FA];
	_ =	sdelay $0x1  }
0xf0: {  	s10 =	simm.s32 $0x1D980  }
0xf1: {  	[tilespmem:s10], [sflag:$0x1] =	stream.indirect_vreg.gather [hbm4b:s0+s2], $0x80, v2, vm1, $0xb8;
	[tilespmem:$0x1F580] =	vst v63  }
0xf2: {  	s0 =	sld [smem:$0x7FB];
	_ =	sdelay $0x1  }
0xf3: {  	s10 =	simm.s32 $0x1E180  }
0xf4: {  	[tilespmem:s10], [sflag:$0x1] =	stream.indirect_vreg.gather [hbm4b:s0+s2], $0x80, v2, vm1, $0xb8;
	[tilespmem:$0x1F580] =	vst v63  }
0xf5: {  	s0 =	sld [smem:$0x7FC];
	_ =	sdelay $0x1  }
0xf6: {  	s10 =	simm.s32 $0x1E980  }
0xf7: {  	[tilespmem:s10], [sflag:$0x1] =	stream.indirect_vreg.gather [hbm4b:s0+s2], $0x80, v2, vm1, $0xb8;
	[tilespmem:$0x1F580] =	vst v63  }
0xf8: {  	s0 =	sld [smem:$0x7FD];
	_ =	sdelay $0x1  }
0xf9: {  	s1 =	simm.s32 $0x1;
	s10 =	simm.s32 $0x1F180  }
0xfa: {  	[tilespmem:s10], [sflag:$0x1] =	stream.indirect_vreg.gather [hbm4b:s0+s2], $0x80, v2, vm0, $0xb8;
	[tilespmem:$0x1F580] =	vst v63  }
0xfb: {  	_ =	swait.ge [sflag:s1], $0x1F400  }
0xfc: {  	[sflag:s1] =	ssyncset.done $0x0  }
0xfd: {  	s0 =	simm.s32 $0x180;
	s10 =	rddreg [dreg:$0x4];
	[sflag:s1] =	ssyncadd.s32 $0xFFFE0C00  }
0xfe: {  	[hbm4b:s10+s2] =	stream.linear.scatter [tilespmem:s0], [sflag:$0x2], $0x1F400, $0x38;
	[tilespmem:$0x1F580] =	vst v63  }
0xff: {  	s10 =	simm.s32 $0x2  }
0x100: {  	_ =	swait.ge [sflag:s10], $0x1F400  }
0x101: {  	[sflag:s10] =	ssyncset.done $0x0  }
0x102: {  	[sflag:s10] =	ssyncadd.s32 $0xFFFE0C00;
	s10 =	rddreg [dreg:$0x18]  }
0x103: {  	v2 =	vld.msk [tilespmem:s10+$0x0], $0xff;
	_ =	sdelay $0x4  }
0x104: {  	v3 =	vshrl.u32 v2, $0x3  }
0x105: {  	v3 =	vmul.u32 $0x3E8, v3  }
0x106: {  	v2 =	vand.u32 $0x7, v2  }
0x107: {  	v2 =	vor.u32 v2, v3  }
0x108: {  	v2 =	vperm.xlane v2, v0;
	_ =	sdelay $0x1  }
0x109: {  	v2 =	vadd.s32 v1, v2;
	_ =	sdelay $0x4  }
0x10a: {  	[tilespmem:s0], [sflag:$0x1] =	stream.indirect_vreg.gather [hbm4b:s11+s2], $0x80, v2, vm1, $0xb8;
	[tilespmem:$0x1F580] =	vst v63  }
0x10b: {  	s10 =	simm.s32 $0x980  }
0x10c: {  	[tilespmem:s10], [sflag:$0x1] =	stream.indirect_vreg.gather [hbm4b:s12+s2], $0x80, v2, vm1, $0xb8;
	[tilespmem:$0x1F580] =	vst v63  }
0x10d: {  	s12 =	simm.s32 $0x1180  }
0x10e: {  	[tilespmem:s12], [sflag:$0x1] =	stream.indirect_vreg.gather [hbm4b:s13+s2], $0x80, v2, vm1, $0xb8;
	[tilespmem:$0x1F580] =	vst v63  }
0x10f: {  	s10 =	simm.s32 $0x1980  }
0x110: {  	[tilespmem:s10], [sflag:$0x1] =	stream.indirect_vreg.gather [hbm4b:s14+s2], $0x80, v2, vm1, $0xb8;
	[tilespmem:$0x1F580] =	vst v63  }
0x111: {  	s12 =	rddreg [dreg:$0x1b];
	s13 =	simm.s32 $0x2180  }
0x112: {  	[tilespmem:s13], [sflag:$0x1] =	stream.indirect_vreg.gather [hbm4b:s12+s2], $0x80, v2, vm1, $0xb8;
	[tilespmem:$0x1F580] =	vst v63  }
0x113: {  	s14 =	simm.s32 $0x2980  }
0x114: {  	[tilespmem:s14], [sflag:$0x1] =	stream.indirect_vreg.gather [hbm4b:s15+s2], $0x80, v2, vm1, $0xb8;
	[tilespmem:$0x1F580] =	vst v63  }
0x115: {  	s15 =	simm.s32 $0x3180  }
0x116: {  	[tilespmem:s15], [sflag:$0x1] =	stream.indirect_vreg.gather [hbm4b:s17+s2], $0x80, v2, vm1, $0xb8;
	[tilespmem:$0x1F580] =	vst v63  }
0x117: {  	s17 =	simm.s32 $0x3980  }
0x118: {  	[tilespmem:s17], [sflag:$0x1] =	stream.indirect_vreg.gather [hbm4b:s18+s2], $0x80, v2, vm1, $0xb8;
	[tilespmem:$0x1F580] =	vst v63  }
0x119: {  	s10 =	simm.s32 $0x4180  }
0x11a: {  	[tilespmem:s10], [sflag:$0x1] =	stream.indirect_vreg.gather [hbm4b:s19+s2], $0x80, v2, vm1, $0xb8;
	[tilespmem:$0x1F580] =	vst v63  }
0x11b: {  	s12 =	simm.s32 $0x4980  }
0x11c: {  	[tilespmem:s12], [sflag:$0x1] =	stream.indirect_vreg.gather [hbm4b:s20+s2], $0x80, v2, vm1, $0xb8;
	[tilespmem:$0x1F580] =	vst v63  }
0x11d: {  	s13 =	simm.s32 $0x5180  }
0x11e: {  	[tilespmem:s13], [sflag:$0x1] =	stream.indirect_vreg.gather [hbm4b:s22+s2], $0x80, v2, vm1, $0xb8;
	[tilespmem:$0x1F580] =	vst v63  }
0x11f: {  	s14 =	simm.s32 $0x5980  }
0x120: {  	[tilespmem:s14], [sflag:$0x1] =	stream.indirect_vreg.gather [hbm4b:s23+s2], $0x80, v2, vm1, $0xb8;
	[tilespmem:$0x1F580] =	vst v63  }
0x121: {  	s15 =	simm.s32 $0x6180  }
0x122: {  	[tilespmem:s15], [sflag:$0x1] =	stream.indirect_vreg.gather [hbm4b:s24+s2], $0x80, v2, vm1, $0xb8;
	[tilespmem:$0x1F580] =	vst v63  }
0x123: {  	s17 =	simm.s32 $0x6980  }
0x124: {  	[tilespmem:s17], [sflag:$0x1] =	stream.indirect_vreg.gather [hbm4b:s25+s2], $0x80, v2, vm1, $0xb8;
	[tilespmem:$0x1F580] =	vst v63  }
0x125: {  	s18 =	simm.s32 $0x7180  }
0x126: {  	[tilespmem:s18], [sflag:$0x1] =	stream.indirect_vreg.gather [hbm4b:s26+s2], $0x80, v2, vm1, $0xb8;
	[tilespmem:$0x1F580] =	vst v63  }
0x127: {  	s19 =	simm.s32 $0x7980  }
0x128: {  	[tilespmem:s19], [sflag:$0x1] =	stream.indirect_vreg.gather [hbm4b:s28+s2], $0x80, v2, vm1, $0xb8;
	[tilespmem:$0x1F580] =	vst v63  }
0x129: {  	s20 =	simm.s32 $0x8180  }
0x12a: {  	[tilespmem:s20], [sflag:$0x1] =	stream.indirect_vreg.gather [hbm4b:s29+s2], $0x80, v2, vm1, $0xb8;
	[tilespmem:$0x1F580] =	vst v63  }
0x12b: {  	s22 =	simm.s32 $0x8980  }
0x12c: {  	[tilespmem:s22], [sflag:$0x1] =	stream.indirect_vreg.gather [hbm4b:s30+s2], $0x80, v2, vm1, $0xb8;
	[tilespmem:$0x1F580] =	vst v63  }
0x12d: {  	s23 =	simm.s32 $0x9180  }
0x12e: {  	[tilespmem:s23], [sflag:$0x1] =	stream.indirect_vreg.gather [hbm4b:s31+s2], $0x80, v2, vm1, $0xb8;
	[tilespmem:$0x1F580] =	vst v63  }
0x12f: {  	s24 =	rddreg [dreg:$0x1a];
	s25 =	simm.s32 $0x9980  }
0x130: {  	[tilespmem:s25], [sflag:$0x1] =	stream.indirect_vreg.gather [hbm4b:s24+s2], $0x80, v2, vm1, $0xb8;
	[tilespmem:$0x1F580] =	vst v63  }
0x131: {  	s26 =	simm.s32 $0xA180  }
0x132: {  	[tilespmem:s26], [sflag:$0x1] =	stream.indirect_vreg.gather [hbm4b:s16+s2], $0x80, v2, vm1, $0xb8;
	[tilespmem:$0x1F580] =	vst v63  }
0x133: {  	s28 =	simm.s32 $0xA980  }
0x134: {  	[tilespmem:s28], [sflag:$0x1] =	stream.indirect_vreg.gather [hbm4b:s21+s2], $0x80, v2, vm1, $0xb8;
	[tilespmem:$0x1F580] =	vst v63  }
0x135: {  	s29 =	simm.s32 $0xB180  }
0x136: {  	[tilespmem:s29], [sflag:$0x1] =	stream.indirect_vreg.gather [hbm4b:s3+s2], $0x80, v2, vm1, $0xb8;
	[tilespmem:$0x1F580] =	vst v63  }
0x137: {  	s30 =	simm.s32 $0xB980  }
0x138: {  	[tilespmem:s30], [sflag:$0x1] =	stream.indirect_vreg.gather [hbm4b:s4+s2], $0x80, v2, vm1, $0xb8;
	[tilespmem:$0x1F580] =	vst v63  }
0x139: {  	s31 =	simm.s32 $0xC180  }
0x13a: {  	[tilespmem:s31], [sflag:$0x1] =	stream.indirect_vreg.gather [hbm4b:s5+s2], $0x80, v2, vm1, $0xb8;
	[tilespmem:$0x1F580] =	vst v63  }
0x13b: {  	s4 =	simm.s32 $0xC980  }
0x13c: {  	[tilespmem:s4], [sflag:$0x1] =	stream.indirect_vreg.gather [hbm4b:s8+s2], $0x80, v2, vm1, $0xb8;
	[tilespmem:$0x1F580] =	vst v63  }
0x13d: {  	s5 =	simm.s32 $0xD180  }
0x13e: {  	[tilespmem:s5], [sflag:$0x1] =	stream.indirect_vreg.gather [hbm4b:s9+s2], $0x80, v2, vm1, $0xb8;
	[tilespmem:$0x1F580] =	vst v63  }
0x13f: {  	s8 =	simm.s32 $0xD980  }
0x140: {  	[tilespmem:s8], [sflag:$0x1] =	stream.indirect_vreg.gather [hbm4b:s7+s2], $0x80, v2, vm1, $0xb8;
	[tilespmem:$0x1F580] =	vst v63  }
0x141: {  	s12 =	sld [smem:$0x7DC];
	s9 =	simm.s32 $0xE180  }
0x142: {  	[tilespmem:s9], [sflag:$0x1] =	stream.indirect_vreg.gather [hbm4b:s6+s2], $0x80, v2, vm1, $0xb8;
	[tilespmem:$0x1F580] =	vst v63  }
0x143: {  	s10 =	simm.s32 $0xE980;
	s14 =	sld [smem:$0x7DD]  }
0x144: {  	[tilespmem:s10], [sflag:$0x1] =	stream.indirect_vreg.gather [hbm4b:s12+s2], $0x80, v2, vm1, $0xb8;
	[tilespmem:$0x1F580] =	vst v63  }
0x145: {  	s13 =	simm.s32 $0xF180;
	s16 =	sld [smem:$0x7DE]  }
0x146: {  	[tilespmem:s13], [sflag:$0x1] =	stream.indirect_vreg.gather [hbm4b:s14+s2], $0x80, v2, vm1, $0xb8;
	[tilespmem:$0x1F580] =	vst v63  }
0x147: {  	s15 =	simm.s32 $0xF980;
	s18 =	sld [smem:$0x7DF]  }
0x148: {  	[tilespmem:s15], [sflag:$0x1] =	stream.indirect_vreg.gather [hbm4b:s16+s2], $0x80, v2, vm1, $0xb8;
	[tilespmem:$0x1F580] =	vst v63  }
0x149: {  	s17 =	simm.s32 $0x10180;
	s20 =	sld [smem:$0x7E0]  }
0x14a: {  	[tilespmem:s17], [sflag:$0x1] =	stream.indirect_vreg.gather [hbm4b:s18+s2], $0x80, v2, vm1, $0xb8;
	[tilespmem:$0x1F580] =	vst v63  }
0x14b: {  	s19 =	simm.s32 $0x10980;
	s22 =	sld [smem:$0x7E1]  }
0x14c: {  	[tilespmem:s19], [sflag:$0x1] =	stream.indirect_vreg.gather [hbm4b:s20+s2], $0x80, v2, vm1, $0xb8;
	[tilespmem:$0x1F580] =	vst v63  }
0x14d: {  	s24 =	sld [smem:$0x7E2];
	s21 =	simm.s32 $0x11180  }
0x14e: {  	[tilespmem:s21], [sflag:$0x1] =	stream.indirect_vreg.gather [hbm4b:s22+s2], $0x80, v2, vm1, $0xb8;
	[tilespmem:$0x1F580] =	vst v63  }
0x14f: {  	s23 =	simm.s32 $0x11980;
	s26 =	sld [smem:$0x7F1]  }
0x150: {  	[tilespmem:s23], [sflag:$0x1] =	stream.indirect_vreg.gather [hbm4b:s24+s2], $0x80, v2, vm1, $0xb8;
	[tilespmem:$0x1F580] =	vst v63  }
0x151: {  	s25 =	simm.s32 $0x12180;
	s29 =	sld [smem:$0x7E3]  }
0x152: {  	[tilespmem:s25], [sflag:$0x1] =	stream.indirect_vreg.gather [hbm4b:s26+s2], $0x80, v2, vm1, $0xb8;
	[tilespmem:$0x1F580] =	vst v63  }
0x153: {  	s28 =	simm.s32 $0x12980;
	s31 =	sld [smem:$0x7E4]  }
0x154: {  	[tilespmem:s28], [sflag:$0x1] =	stream.indirect_vreg.gather [hbm4b:s29+s2], $0x80, v2, vm1, $0xb8;
	[tilespmem:$0x1F580] =	vst v63  }
0x155: {  	s30 =	simm.s32 $0x13180;
	s5 =	sld [smem:$0x7E5]  }
0x156: {  	[tilespmem:s30], [sflag:$0x1] =	stream.indirect_vreg.gather [hbm4b:s31+s2], $0x80, v2, vm1, $0xb8;
	[tilespmem:$0x1F580] =	vst v63  }
0x157: {  	s4 =	simm.s32 $0x13980;
	s7 =	sld [smem:$0x7E6]  }
0x158: {  	[tilespmem:s4], [sflag:$0x1] =	stream.indirect_vreg.gather [hbm4b:s5+s2], $0x80, v2, vm1, $0xb8;
	[tilespmem:$0x1F580] =	vst v63  }
0x159: {  	s6 =	simm.s32 $0x14180;
	s9 =	sld [smem:$0x7E7]  }
0x15a: {  	[tilespmem:s6], [sflag:$0x1] =	stream.indirect_vreg.gather [hbm4b:s7+s2], $0x80, v2, vm1, $0xb8;
	[tilespmem:$0x1F580] =	vst v63  }
0x15b: {  	s8 =	simm.s32 $0x14980;
	s12 =	sld [smem:$0x7E8]  }
0x15c: {  	[tilespmem:s8], [sflag:$0x1] =	stream.indirect_vreg.gather [hbm4b:s9+s2], $0x80, v2, vm1, $0xb8;
	[tilespmem:$0x1F580] =	vst v63  }
0x15d: {  	s10 =	simm.s32 $0x15180;
	s14 =	sld [smem:$0x7E9]  }
0x15e: {  	[tilespmem:s10], [sflag:$0x1] =	stream.indirect_vreg.gather [hbm4b:s12+s2], $0x80, v2, vm1, $0xb8;
	[tilespmem:$0x1F580] =	vst v63  }
0x15f: {  	s13 =	simm.s32 $0x15980;
	s16 =	sld [smem:$0x7EA]  }
0x160: {  	[tilespmem:s13], [sflag:$0x1] =	stream.indirect_vreg.gather [hbm4b:s14+s2], $0x80, v2, vm1, $0xb8;
	[tilespmem:$0x1F580] =	vst v63  }
0x161: {  	s15 =	simm.s32 $0x16180;
	s18 =	sld [smem:$0x7EB]  }
0x162: {  	[tilespmem:s15], [sflag:$0x1] =	stream.indirect_vreg.gather [hbm4b:s16+s2], $0x80, v2, vm1, $0xb8;
	[tilespmem:$0x1F580] =	vst v63  }
0x163: {  	s17 =	simm.s32 $0x16980;
	s20 =	sld [smem:$0x7EC]  }
0x164: {  	[tilespmem:s17], [sflag:$0x1] =	stream.indirect_vreg.gather [hbm4b:s18+s2], $0x80, v2, vm1, $0xb8;
	[tilespmem:$0x1F580] =	vst v63  }
0x165: {  	s19 =	simm.s32 $0x17180;
	s22 =	sld [smem:$0x7ED]  }
0x166: {  	[tilespmem:s19], [sflag:$0x1] =	stream.indirect_vreg.gather [hbm4b:s20+s2], $0x80, v2, vm1, $0xb8;
	[tilespmem:$0x1F580] =	vst v63  }
0x167: {  	s21 =	simm.s32 $0x17980;
	s24 =	sld [smem:$0x7EE]  }
0x168: {  	[tilespmem:s21], [sflag:$0x1] =	stream.indirect_vreg.gather [hbm4b:s22+s2], $0x80, v2, vm1, $0xb8;
	[tilespmem:$0x1F580] =	vst v63  }
0x169: {  	s23 =	simm.s32 $0x18180;
	s26 =	sld [smem:$0x7EF]  }
0x16a: {  	[tilespmem:s23], [sflag:$0x1] =	stream.indirect_vreg.gather [hbm4b:s24+s2], $0x80, v2, vm1, $0xb8;
	[tilespmem:$0x1F580] =	vst v63  }
0x16b: {  	s25 =	simm.s32 $0x18980;
	s29 =	sld [smem:$0x7F0]  }
0x16c: {  	[tilespmem:s25], [sflag:$0x1] =	stream.indirect_vreg.gather [hbm4b:s26+s2], $0x80, v2, vm1, $0xb8;
	[tilespmem:$0x1F580] =	vst v63  }
0x16d: {  	s28 =	simm.s32 $0x19180;
	s31 =	sld [smem:$0x7F2]  }
0x16e: {  	[tilespmem:s28], [sflag:$0x1] =	stream.indirect_vreg.gather [hbm4b:s29+s2], $0x80, v2, vm1, $0xb8;
	[tilespmem:$0x1F580] =	vst v63  }
0x16f: {  	s30 =	simm.s32 $0x19980;
	s6 =	sld [smem:$0x7F3]  }
0x170: {  	[tilespmem:s30], [sflag:$0x1] =	stream.indirect_vreg.gather [hbm4b:s31+s2], $0x80, v2, vm1, $0xb8;
	[tilespmem:$0x1F580] =	vst v63  }
0x171: {  	s5 =	simm.s32 $0x1A180;
	s8 =	sld [smem:$0x7F4]  }
0x172: {  	[tilespmem:s5], [sflag:$0x1] =	stream.indirect_vreg.gather [hbm4b:s6+s2], $0x80, v2, vm1, $0xb8;
	[tilespmem:$0x1F580] =	vst v63  }
0x173: {  	s7 =	simm.s32 $0x1A980;
	s10 =	sld [smem:$0x7F5]  }
0x174: {  	[tilespmem:s7], [sflag:$0x1] =	stream.indirect_vreg.gather [hbm4b:s8+s2], $0x80, v2, vm1, $0xb8;
	[tilespmem:$0x1F580] =	vst v63  }
0x175: {  	s9 =	simm.s32 $0x1B180;
	s13 =	sld [smem:$0x7F6]  }
0x176: {  	[tilespmem:s9], [sflag:$0x1] =	stream.indirect_vreg.gather [hbm4b:s10+s2], $0x80, v2, vm1, $0xb8;
	[tilespmem:$0x1F580] =	vst v63  }
0x177: {  	s12 =	simm.s32 $0x1B980;
	s15 =	sld [smem:$0x7F7]  }
0x178: {  	[tilespmem:s12], [sflag:$0x1] =	stream.indirect_vreg.gather [hbm4b:s13+s2], $0x80, v2, vm1, $0xb8;
	[tilespmem:$0x1F580] =	vst v63  }
0x179: {  	s14 =	simm.s32 $0x1C180;
	s17 =	sld [smem:$0x7F8]  }
0x17a: {  	[tilespmem:s14], [sflag:$0x1] =	stream.indirect_vreg.gather [hbm4b:s15+s2], $0x80, v2, vm1, $0xb8;
	[tilespmem:$0x1F580] =	vst v63  }
0x17b: {  	s16 =	simm.s32 $0x1C980;
	s19 =	sld [smem:$0x7F9]  }
0x17c: {  	[tilespmem:s16], [sflag:$0x1] =	stream.indirect_vreg.gather [hbm4b:s17+s2], $0x80, v2, vm1, $0xb8;
	[tilespmem:$0x1F580] =	vst v63  }
0x17d: {  	s18 =	simm.s32 $0x1D180;
	s21 =	sld [smem:$0x7FA]  }
0x17e: {  	[tilespmem:s18], [sflag:$0x1] =	stream.indirect_vreg.gather [hbm4b:s19+s2], $0x80, v2, vm1, $0xb8;
	[tilespmem:$0x1F580] =	vst v63  }
0x17f: {  	s20 =	simm.s32 $0x1D980;
	s23 =	sld [smem:$0x7FB]  }
0x180: {  	[tilespmem:s20], [sflag:$0x1] =	stream.indirect_vreg.gather [hbm4b:s21+s2], $0x80, v2, vm1, $0xb8;
	[tilespmem:$0x1F580] =	vst v63  }
0x181: {  	s22 =	simm.s32 $0x1E180;
	s25 =	sld [smem:$0x7FC]  }
0x182: {  	[tilespmem:s22], [sflag:$0x1] =	stream.indirect_vreg.gather [hbm4b:s23+s2], $0x80, v2, vm1, $0xb8;
	[tilespmem:$0x1F580] =	vst v63  }
0x183: {  	s24 =	simm.s32 $0x1E980;
	s28 =	sld [smem:$0x7FD]  }
0x184: {  	[tilespmem:s24], [sflag:$0x1] =	stream.indirect_vreg.gather [hbm4b:s25+s2], $0x80, v2, vm1, $0xb8;
	[tilespmem:$0x1F580] =	vst v63  }
0x185: {  	s0 =	sld [smem:$0x7D6];
	s26 =	simm.s32 $0x1F180  }
0x186: {  	[tilespmem:s26], [sflag:$0x1] =	stream.indirect_vreg.gather [hbm4b:s28+s2], $0x80, v2, vm0, $0xb8;
	[tilespmem:$0x1F580] =	vst v63  }
0x187: {  	s11 =	simm.s32 $0x180;
	_ =	swait.ge [sflag:s1], $0x1F400  }
0x188: {  	p0 =	sne.s32 s0, $0x1;
	s30 =	simm.s32 $0x2;
	[sflag:s1] =	ssyncset.done $0x0  }
.Ltmp1:
0x189: {  	s29 =	rddreg [dreg:$0x5];
	[sflag:s1] =	ssyncadd.s32 $0xFFFE0C00;
	(pc) =	sbr.rel @p0 .LBB2_2-.Ltmp1, $4  }
0x18a: {  	[hbm4b:s29+s2] =	stream.linear.scatter [tilespmem:s11], [sflag:$0x2], $0x1F400, $0x38;
	[tilespmem:$0x1F580] =	vst v63  }
0x18b: {  	_ =	swait.ge [sflag:s30], $0x1F400  }
0x18c: {  	s31 =	simm.s32 $0x2;
	[sflag:s30] =	ssyncset.done $0x0  }
0x18d: {  	s0 =	sadd.s32 $0xFFFFFFFF, s0;
	[sflag:s31] =	ssyncadd.s32 $0xFFFE0C00  }
.LBB2_3:
0x18e: {  	_ =	sfence.sel $0x180000  }
0x18f: {  	[bflag:$0x0] =	sbarrier.arrive $0xFFFF  }
0x190: {  	_ =	strace $0x90000047  }
0x191: {  	s0 =	stileid.u32;
	[bflag:$0x2] =	sbarrier.arrive $0xFFFF  }
0x192: {  	p0 =	sne.s32 s0, $0x0;
	s0 =	rddreg [dreg:$0x2]  }
0x193: {  	s0 =	sadd.s32 @!p0 $0x100000, s0  }
0x194: {  	[sflag:s0] =	ssyncadd.tile.s32 @!p0 $0x1;
	_ =	shalt  }
.Lfunc_end2:
_tile_overlayer_lowered:
.L_overlay_start_2:
0x195: {  	(tag) =	ssettag $0x2  }
0x196: {  	s0 =	rddreg [dreg:$0x0];
	s2 =	stileid.u32  }
0x197: {  	s1 =	rddreg [dreg:$0x1];
	p0 =	sne.s32 s2, $0x0  }
0x198: {  	s3 =	rddreg [dreg:$0x2];
	[bflag:$0x3] =	sbarrier.arrive $0xFFFF;
	s2 =	simm.s32 @!p0 $0x1C02  }
0x199: {  	[timem:s3], [sflag:s2] =	dma.local @!p0 [hbm:s0], s1  }
0x19a: {  	s0 =	simm.s32 @!p0 $0x2  }
0x19b: {  	_ =	swait.ge @!p0 [sflag:s0], s1  }
0x19c: {  	s1 =	ssub.s32 @!p0 $0x0, s1;
	[sflag:s0] =	ssyncset.done @!p0 $0x0  }
0x19d: {  	[sflag:s0] =	ssyncadd.s32 @!p0 s1  }
0x19e: {  	[bflag:$0x3] =	sbarrier.arrive $0xFFFF  }
0x19f: {  	_ =	shalt  }

</sc_bundles>
